<compile_context>
chip_gen: v7x
topology: tpu7x:2x2x1
jax: 0.10.2.dev20260603
libtpu: 0.0.44.dev20260713+nightly
codegen_flags: <defaults>
</compile_context>

<pallas_src>
import functools

import jax
import jax.numpy as jnp
from jax import lax
from jax.experimental import pallas as pl
from jax.experimental.pallas import tpu as pltpu
from jax.experimental.pallas import tpu_sc as plsc

_B = 16384
_V = 1000

_info = plsc.get_sparse_core_info()
_NC = _info.num_cores
_NS = _info.num_subcores
_L = _info.num_lanes
_NW = _NC * _NS
_PW = _B // _NW
_CHUNK = 128
_NCHUNK = _PW // _CHUNK
_VPC = _CHUNK // _L


def _body(preds_hbm, labels_hbm, lcas_hbm, cov_hbm, out_hbm,
          preds_v, labels_v, idx_v, lca_v, cov_v, res_v,
          sem_in, sem_cov, *gsems):
    wid = lax.axis_index("s") * _NC + lax.axis_index("c")
    row0 = wid * _NCHUNK

    cp = pltpu.async_copy(preds_hbm.at[pl.ds(row0, _NCHUNK)], preds_v, sem_in)
    cl = pltpu.async_copy(labels_hbm.at[pl.ds(row0, _NCHUNK)], labels_v,
                          sem_in)
    cc = pltpu.async_copy(cov_hbm, cov_v, sem_cov)
    cp.wait()
    cl.wait()

    gcopies = []
    for j in range(_NCHUNK):
        for v in range(_VPC):
            o = v * _L
            p16 = preds_v[j, pl.ds(o, _L)]
            l16 = labels_v[j, pl.ds(o, _L)]
            idx_v[j, pl.ds(o, _L)] = p16 * _V + l16
        gcopies.append(
            pltpu.async_copy(lcas_hbm.at[idx_v.at[j]], lca_v.at[j],
                             gsems[j]))

    cc.wait()
    one = jnp.full((_L,), 1.0, jnp.float32)
    zero = jnp.zeros((_L,), jnp.float32)
    acc = jnp.zeros((_L,), jnp.float32)
    for j in range(_NCHUNK):
        gcopies[j].wait()
        for v in range(_VPC):
            o = v * _L
            lca16 = lca_v[j, pl.ds(o, _L)]
            p16 = preds_v[j, pl.ds(o, _L)]
            lca_cov = plsc.load_gather(cov_v, [lca16])
            pred_cov = plsc.load_gather(cov_v, [p16])
            rel = jnp.where(pred_cov != zero, lca_cov / pred_cov, one)
            acc = acc + (one - rel)

    total = lax.reduce_sum_p.bind(acc, axes=(0,))
    res_v[...] = jnp.broadcast_to(total, (_L,))
    pltpu.sync_copy(res_v, out_hbm.at[wid])


_sc_call = functools.partial(
    pl.kernel,
    out_type=jax.ShapeDtypeStruct((_NW, _L), jnp.float32),
    mesh=plsc.VectorSubcoreMesh(core_axis_name="c", subcore_axis_name="s"),
    compiler_params=pltpu.CompilerParams(
        needs_layout_passes=False,
        disable_bounds_checks=True,
        disable_semaphore_checks=True,
        skip_device_barrier=True,
    ),
    scratch_types=[
        pltpu.VMEM((_NCHUNK, _CHUNK), jnp.int32),
        pltpu.VMEM((_NCHUNK, _CHUNK), jnp.int32),
        pltpu.VMEM((_NCHUNK, _CHUNK), jnp.int32),
        pltpu.VMEM((_NCHUNK, _CHUNK), jnp.int32),
        pltpu.VMEM((_V,), jnp.float32),
        pltpu.VMEM((_L,), jnp.float32),
        pltpu.SemaphoreType.DMA,
        pltpu.SemaphoreType.DMA,
    ] + [pltpu.SemaphoreType.DMA] * _NCHUNK,
)(_body)


def kernel(preds, labels, lcas, coverage_vec):
    preds2d = preds.astype(jnp.int32).reshape(_B // _CHUNK, _CHUNK)
    labels2d = labels.astype(jnp.int32).reshape(_B // _CHUNK, _CHUNK)
    lcas_flat = lcas.astype(jnp.int32).reshape(_V * _V)
    cov_flat = coverage_vec.reshape(_V)
    partials = _sc_call(preds2d, labels2d, lcas_flat, cov_flat)
    return jnp.sum(partials[:, 0]) / _B

# --- scband reference (transcript-rebuilt; emitter-appended) ---
"""Pipeline reference for scband-hierarchy-loss-34213709480251 (READ-ONLY COPY).

The authoritative reference and input builder live on the scoring server;
editing this copy changes nothing except your own understanding.
"""

import jax, jax.numpy as jnp
import numpy as np

B = 16384
V = 1000

def setup_inputs(seed: int = 0) -> dict:
    key = jax.random.key(seed)
    k1, k2, k3, k4 = jax.random.split(key, 4)
    preds = jax.random.randint(k1, (B,), 0, V, dtype=jnp.int64) if jax.config.jax_enable_x64 else jax.random.randint(k1, (B,), 0, V, dtype=jnp.int32)
    labels = jax.random.randint(k2, (B,), 0, V, dtype=preds.dtype)
    lcas = jax.random.randint(k3, (V, V), 0, V, dtype=preds.dtype)
    # coverage values; small positive offset avoids pathological tiny divisors while keeping math faithful
    coverage_vec = jax.random.uniform(k4, (V, 1), dtype=jnp.float32) + 0.01
    return {"preds": preds, "labels": labels, "lcas": lcas, "coverage_vec": coverage_vec}

def reference(preds, labels, lcas, coverage_vec):
    # lcas[preds, labels].int()
    lca = lcas[preds, labels.astype(jnp.int32)].astype(jnp.int32)
    # coverage_vec gathers: [B,1] -> squeeze(1) -> [B]
    lca_cov = coverage_vec[lca].squeeze(1)
    pred_cov = coverage_vec[preds].squeeze(1)
    rel_cov = jnp.where(pred_cov != 0.0, lca_cov / pred_cov, jnp.ones_like(pred_cov))
    loss = 1.0 - rel_cov
    return jnp.mean(loss)

if __name__ == "__main__":
    import jax
    _d = setup_inputs()
    print(jax.jit(kernel)(*tuple(_d.values())))

</pallas_src>

<mosaic_0001>
#map = affine_map<(d0, d1) -> (0, 0)>
#map1 = affine_map<(d0, d1) -> (0)>
module attributes {stable_mosaic.version = 14 : i64} {
  func.func @_body(%arg0: i32, %arg1: i32, %arg2: memref<128x128xi32, #tpu.memory_space<hbm>>, %arg3: memref<128x128xi32, #tpu.memory_space<hbm>>, %arg4: memref<1000000xi32, #tpu.memory_space<hbm>>, %arg5: memref<1000xf32, #tpu.memory_space<hbm>>, %arg6: memref<32x16xf32, #tpu.memory_space<hbm>>, %arg7: memref<4x128xi32, #tpu.memory_space<vmem>>, %arg8: memref<4x128xi32, #tpu.memory_space<vmem>>, %arg9: memref<4x128xi32, #tpu.memory_space<vmem>>, %arg10: memref<4x128xi32, #tpu.memory_space<vmem>>, %arg11: memref<1000xf32, #tpu.memory_space<vmem>>, %arg12: memref<16xf32, #tpu.memory_space<vmem>>, %arg13: memref<!tpu.dma_semaphore, #tpu.memory_space<semaphore_mem>>, %arg14: memref<!tpu.dma_semaphore, #tpu.memory_space<semaphore_mem>>, %arg15: memref<!tpu.dma_semaphore, #tpu.memory_space<semaphore_mem>>, %arg16: memref<!tpu.dma_semaphore, #tpu.memory_space<semaphore_mem>>, %arg17: memref<!tpu.dma_semaphore, #tpu.memory_space<semaphore_mem>>, %arg18: memref<!tpu.dma_semaphore, #tpu.memory_space<semaphore_mem>>) attributes {dimension_semantics = [#tpu.dimension_semantics<core_parallel>, #tpu.dimension_semantics<subcore_parallel>], iteration_bounds = array<i64: 2, 16>, scalar_prefetch = 0 : i64, scratch_operands = 12 : i64, tpu.core_type = #tpu.core_type<sc_vector_subcore>, window_params = [{transform_indices = #map}, {transform_indices = #map}, {transform_indices = #map1}, {transform_indices = #map1}, {transform_indices = #map}]} {
    %mul3A = arith.constant 2 : i32
    %mul3A_0 = arith.muli %arg1, %mul3A : i32
    %add3A = arith.addi %mul3A_0, %arg0 : i32
    %mul3A_1 = arith.constant 4 : i32
    %mul3A_2 = arith.muli %add3A, %mul3A_1 : i32
    %dma_start3A = arith.constant 0 : i32
    %dma_start3A_3 = tpu.memref_slice %arg2[%mul3A_2, %dma_start3A] : memref<128x128xi32, #tpu.memory_space<hbm>> -> memref<4x128xi32, #tpu.memory_space<hbm>>
    %dma_start3A_4 = arith.constant 0 : i32
    %dma_start3A_5 = tpu.memref_slice %arg2[%mul3A_2, %dma_start3A_4] : memref<128x128xi32, #tpu.memory_space<hbm>> -> memref<4x128xi32, #tpu.memory_space<hbm>>
    tpu.enqueue_dma source(%dma_start3A_5 : memref<4x128xi32, #tpu.memory_space<hbm>>) target(%arg7 : memref<4x128xi32, #tpu.memory_space<vmem>>) target_semaphore(%arg13 : memref<!tpu.dma_semaphore, #tpu.memory_space<semaphore_mem>>)
    %dma_start3A_6 = arith.constant 0 : i32
    %dma_start3A_7 = tpu.memref_slice %arg3[%mul3A_2, %dma_start3A_6] : memref<128x128xi32, #tpu.memory_space<hbm>> -> memref<4x128xi32, #tpu.memory_space<hbm>>
    %dma_start3A_8 = arith.constant 0 : i32
    %dma_start3A_9 = tpu.memref_slice %arg3[%mul3A_2, %dma_start3A_8] : memref<128x128xi32, #tpu.memory_space<hbm>> -> memref<4x128xi32, #tpu.memory_space<hbm>>
    tpu.enqueue_dma source(%dma_start3A_9 : memref<4x128xi32, #tpu.memory_space<hbm>>) target(%arg8 : memref<4x128xi32, #tpu.memory_space<vmem>>) target_semaphore(%arg13 : memref<!tpu.dma_semaphore, #tpu.memory_space<semaphore_mem>>)
    tpu.enqueue_dma source(%arg5 : memref<1000xf32, #tpu.memory_space<hbm>>) target(%arg11 : memref<1000xf32, #tpu.memory_space<vmem>>) target_semaphore(%arg14 : memref<!tpu.dma_semaphore, #tpu.memory_space<semaphore_mem>>)
    %dma_wait3A = arith.constant 0 : i32
    %dma_wait3A_10 = tpu.memref_slice %arg2[%mul3A_2, %dma_wait3A] : memref<128x128xi32, #tpu.memory_space<hbm>> -> memref<4x128xi32, #tpu.memory_space<hbm>>
    %dma_wait3A_11 = arith.constant 0 : i32
    %dma_wait3A_12 = tpu.memref_slice %arg2[%mul3A_2, %dma_wait3A_11] : memref<128x128xi32, #tpu.memory_space<hbm>> -> memref<4x128xi32, #tpu.memory_space<hbm>>
    tpu.wait_dma2 semaphore(%arg13 : memref<!tpu.dma_semaphore, #tpu.memory_space<semaphore_mem>>) src(%dma_wait3A_12 : memref<4x128xi32, #tpu.memory_space<hbm>>) dst(%arg7 : memref<4x128xi32, #tpu.memory_space<vmem>>)
    %dma_wait3A_13 = arith.constant 0 : i32
    %dma_wait3A_14 = tpu.memref_slice %arg3[%mul3A_2, %dma_wait3A_13] : memref<128x128xi32, #tpu.memory_space<hbm>> -> memref<4x128xi32, #tpu.memory_space<hbm>>
    %dma_wait3A_15 = arith.constant 0 : i32
    %dma_wait3A_16 = tpu.memref_slice %arg3[%mul3A_2, %dma_wait3A_15] : memref<128x128xi32, #tpu.memory_space<hbm>> -> memref<4x128xi32, #tpu.memory_space<hbm>>
    tpu.wait_dma2 semaphore(%arg13 : memref<!tpu.dma_semaphore, #tpu.memory_space<semaphore_mem>>) src(%dma_wait3A_16 : memref<4x128xi32, #tpu.memory_space<hbm>>) dst(%arg8 : memref<4x128xi32, #tpu.memory_space<vmem>>)
    %get3A = arith.constant 0 : i32
    %get3A_17 = arith.index_cast %get3A : i32 to index
    %get3A_18 = arith.constant 0 : index
    %get3A_19 = tpu.vector_load %arg7[%get3A_17, %get3A_18] {strides = array<i32>} : memref<4x128xi32, #tpu.memory_space<vmem>>, vector<16xi32>,
    %get3A_20 = arith.constant 0 : i32
    %get3A_21 = arith.index_cast %get3A_20 : i32 to index
    %get3A_22 = arith.constant 0 : index
    %get3A_23 = tpu.vector_load %arg8[%get3A_21, %get3A_22] {strides = array<i32>} : memref<4x128xi32, #tpu.memory_space<vmem>>, vector<16xi32>,
    %mul3A_24 = arith.constant 1000 : i32
    %mul3A_25 = vector.broadcast %mul3A_24 : i32 to vector<16xi32>
    %mul3A_26 = arith.muli %get3A_19, %mul3A_25 : vector<16xi32>
    %add3A_27 = arith.addi %mul3A_26, %get3A_23 : vector<16xi32>
    %swap3A = arith.constant 0 : i32
    %swap3A_28 = arith.index_cast %swap3A : i32 to index
    %swap3A_29 = arith.constant 0 : index
    %swap3A_30 = tpu.vector_load %arg9[%swap3A_28, %swap3A_29] {strides = array<i32>} : memref<4x128xi32, #tpu.memory_space<vmem>>, vector<16xi32>,
    tpu.vector_store %arg9[%swap3A_28, %swap3A_29], %add3A_27 {strides = array<i32>} : memref<4x128xi32, #tpu.memory_space<vmem>>, vector<16xi32>,
    %get3A_31 = arith.constant 0 : i32
    %get3A_32 = arith.index_cast %get3A_31 : i32 to index
    %get3A_33 = arith.constant 16 : index
    %get3A_34 = tpu.vector_load %arg7[%get3A_32, %get3A_33] {strides = array<i32>} : memref<4x128xi32, #tpu.memory_space<vmem>>, vector<16xi32>,
    %get3A_35 = arith.constant 0 : i32
    %get3A_36 = arith.index_cast %get3A_35 : i32 to index
    %get3A_37 = arith.constant 16 : index
    %get3A_38 = tpu.vector_load %arg8[%get3A_36, %get3A_37] {strides = array<i32>} : memref<4x128xi32, #tpu.memory_space<vmem>>, vector<16xi32>,
    %mul3A_39 = arith.constant 1000 : i32
    %mul3A_40 = vector.broadcast %mul3A_39 : i32 to vector<16xi32>
    %mul3A_41 = arith.muli %get3A_34, %mul3A_40 : vector<16xi32>
    %add3A_42 = arith.addi %mul3A_41, %get3A_38 : vector<16xi32>
    %swap3A_43 = arith.constant 0 : i32
    %swap3A_44 = arith.index_cast %swap3A_43 : i32 to index
    %swap3A_45 = arith.constant 16 : index
    %swap3A_46 = tpu.vector_load %arg9[%swap3A_44, %swap3A_45] {strides = array<i32>} : memref<4x128xi32, #tpu.memory_space<vmem>>, vector<16xi32>,
    tpu.vector_store %arg9[%swap3A_44, %swap3A_45], %add3A_42 {strides = array<i32>} : memref<4x128xi32, #tpu.memory_space<vmem>>, vector<16xi32>,
    %get3A_47 = arith.constant 0 : i32
    %get3A_48 = arith.index_cast %get3A_47 : i32 to index
    %get3A_49 = arith.constant 32 : index
    %get3A_50 = tpu.vector_load %arg7[%get3A_48, %get3A_49] {strides = array<i32>} : memref<4x128xi32, #tpu.memory_space<vmem>>, vector<16xi32>,
    %get3A_51 = arith.constant 0 : i32
    %get3A_52 = arith.index_cast %get3A_51 : i32 to index
    %get3A_53 = arith.constant 32 : index
    %get3A_54 = tpu.vector_load %arg8[%get3A_52, %get3A_53] {strides = array<i32>} : memref<4x128xi32, #tpu.memory_space<vmem>>, vector<16xi32>,
    %mul3A_55 = arith.constant 1000 : i32
    %mul3A_56 = vector.broadcast %mul3A_55 : i32 to vector<16xi32>
    %mul3A_57 = arith.muli %get3A_50, %mul3A_56 : vector<16xi32>
    %add3A_58 = arith.addi %mul3A_57, %get3A_54 : vector<16xi32>
    %swap3A_59 = arith.constant 0 : i32
    %swap3A_60 = arith.index_cast %swap3A_59 : i32 to index
    %swap3A_61 = arith.constant 32 : index
    %swap3A_62 = tpu.vector_load %arg9[%swap3A_60, %swap3A_61] {strides = array<i32>} : memref<4x128xi32, #tpu.memory_space<vmem>>, vector<16xi32>,
    tpu.vector_store %arg9[%swap3A_60, %swap3A_61], %add3A_58 {strides = array<i32>} : memref<4x128xi32, #tpu.memory_space<vmem>>, vector<16xi32>,
    %get3A_63 = arith.constant 0 : i32
    %get3A_64 = arith.index_cast %get3A_63 : i32 to index
    %get3A_65 = arith.constant 48 : index
    %get3A_66 = tpu.vector_load %arg7[%get3A_64, %get3A_65] {strides = array<i32>} : memref<4x128xi32, #tpu.memory_space<vmem>>, vector<16xi32>,
    %get3A_67 = arith.constant 0 : i32
    %get3A_68 = arith.index_cast %get3A_67 : i32 to index
    %get3A_69 = arith.constant 48 : index
    %get3A_70 = tpu.vector_load %arg8[%get3A_68, %get3A_69] {strides = array<i32>} : memref<4x128xi32, #tpu.memory_space<vmem>>, vector<16xi32>,
    %mul3A_71 = arith.constant 1000 : i32
    %mul3A_72 = vector.broadcast %mul3A_71 : i32 to vector<16xi32>
    %mul3A_73 = arith.muli %get3A_66, %mul3A_72 : vector<16xi32>
    %add3A_74 = arith.addi %mul3A_73, %get3A_70 : vector<16xi32>
    %swap3A_75 = arith.constant 0 : i32
    %swap3A_76 = arith.index_cast %swap3A_75 : i32 to index
    %swap3A_77 = arith.constant 48 : index
    %swap3A_78 = tpu.vector_load %arg9[%swap3A_76, %swap3A_77] {strides = array<i32>} : memref<4x128xi32, #tpu.memory_space<vmem>>, vector<16xi32>,
    tpu.vector_store %arg9[%swap3A_76, %swap3A_77], %add3A_74 {strides = array<i32>} : memref<4x128xi32, #tpu.memory_space<vmem>>, vector<16xi32>,
    %get3A_79 = arith.constant 0 : i32
    %get3A_80 = arith.index_cast %get3A_79 : i32 to index
    %get3A_81 = arith.constant 64 : index
    %get3A_82 = tpu.vector_load %arg7[%get3A_80, %get3A_81] {strides = array<i32>} : memref<4x128xi32, #tpu.memory_space<vmem>>, vector<16xi32>,
    %get3A_83 = arith.constant 0 : i32
    %get3A_84 = arith.index_cast %get3A_83 : i32 to index
    %get3A_85 = arith.constant 64 : index
    %get3A_86 = tpu.vector_load %arg8[%get3A_84, %get3A_85] {strides = array<i32>} : memref<4x128xi32, #tpu.memory_space<vmem>>, vector<16xi32>,
    %mul3A_87 = arith.constant 1000 : i32
    %mul3A_88 = vector.broadcast %mul3A_87 : i32 to vector<16xi32>
    %mul3A_89 = arith.muli %get3A_82, %mul3A_88 : vector<16xi32>
    %add3A_90 = arith.addi %mul3A_89, %get3A_86 : vector<16xi32>
    %swap3A_91 = arith.constant 0 : i32
    %swap3A_92 = arith.index_cast %swap3A_91 : i32 to index
    %swap3A_93 = arith.constant 64 : index
    %swap3A_94 = tpu.vector_load %arg9[%swap3A_92, %swap3A_93] {strides = array<i32>} : memref<4x128xi32, #tpu.memory_space<vmem>>, vector<16xi32>,
    tpu.vector_store %arg9[%swap3A_92, %swap3A_93], %add3A_90 {strides = array<i32>} : memref<4x128xi32, #tpu.memory_space<vmem>>, vector<16xi32>,
    %get3A_95 = arith.constant 0 : i32
    %get3A_96 = arith.index_cast %get3A_95 : i32 to index
    %get3A_97 = arith.constant 80 : index
    %get3A_98 = tpu.vector_load %arg7[%get3A_96, %get3A_97] {strides = array<i32>} : memref<4x128xi32, #tpu.memory_space<vmem>>, vector<16xi32>,
    %get3A_99 = arith.constant 0 : i32
    %get3A_100 = arith.index_cast %get3A_99 : i32 to index
    %get3A_101 = arith.constant 80 : index
    %get3A_102 = tpu.vector_load %arg8[%get3A_100, %get3A_101] {strides = array<i32>} : memref<4x128xi32, #tpu.memory_space<vmem>>, vector<16xi32>,
    %mul3A_103 = arith.constant 1000 : i32
    %mul3A_104 = vector.broadcast %mul3A_103 : i32 to vector<16xi32>
    %mul3A_105 = arith.muli %get3A_98, %mul3A_104 : vector<16xi32>
    %add3A_106 = arith.addi %mul3A_105, %get3A_102 : vector<16xi32>
    %swap3A_107 = arith.constant 0 : i32
    %swap3A_108 = arith.index_cast %swap3A_107 : i32 to index
    %swap3A_109 = arith.constant 80 : index
    %swap3A_110 = tpu.vector_load %arg9[%swap3A_108, %swap3A_109] {strides = array<i32>} : memref<4x128xi32, #tpu.memory_space<vmem>>, vector<16xi32>,
    tpu.vector_store %arg9[%swap3A_108, %swap3A_109], %add3A_106 {strides = array<i32>} : memref<4x128xi32, #tpu.memory_space<vmem>>, vector<16xi32>,
    %get3A_111 = arith.constant 0 : i32
    %get3A_112 = arith.index_cast %get3A_111 : i32 to index
    %get3A_113 = arith.constant 96 : index
    %get3A_114 = tpu.vector_load %arg7[%get3A_112, %get3A_113] {strides = array<i32>} : memref<4x128xi32, #tpu.memory_space<vmem>>, vector<16xi32>,
    %get3A_115 = arith.constant 0 : i32
    %get3A_116 = arith.index_cast %get3A_115 : i32 to index
    %get3A_117 = arith.constant 96 : index
    %get3A_118 = tpu.vector_load %arg8[%get3A_116, %get3A_117] {strides = array<i32>} : memref<4x128xi32, #tpu.memory_space<vmem>>, vector<16xi32>,
    %mul3A_119 = arith.constant 1000 : i32
    %mul3A_120 = vector.broadcast %mul3A_119 : i32 to vector<16xi32>
    %mul3A_121 = arith.muli %get3A_114, %mul3A_120 : vector<16xi32>
    %add3A_122 = arith.addi %mul3A_121, %get3A_118 : vector<16xi32>
    %swap3A_123 = arith.constant 0 : i32
    %swap3A_124 = arith.index_cast %swap3A_123 : i32 to index
    %swap3A_125 = arith.constant 96 : index
    %swap3A_126 = tpu.vector_load %arg9[%swap3A_124, %swap3A_125] {strides = array<i32>} : memref<4x128xi32, #tpu.memory_space<vmem>>, vector<16xi32>,
    tpu.vector_store %arg9[%swap3A_124, %swap3A_125], %add3A_122 {strides = array<i32>} : memref<4x128xi32, #tpu.memory_space<vmem>>, vector<16xi32>,
    %get3A_127 = arith.constant 0 : i32
    %get3A_128 = arith.index_cast %get3A_127 : i32 to index
    %get3A_129 = arith.constant 112 : index
    %get3A_130 = tpu.vector_load %arg7[%get3A_128, %get3A_129] {strides = array<i32>} : memref<4x128xi32, #tpu.memory_space<vmem>>, vector<16xi32>,
    %get3A_131 = arith.constant 0 : i32
    %get3A_132 = arith.index_cast %get3A_131 : i32 to index
    %get3A_133 = arith.constant 112 : index
    %get3A_134 = tpu.vector_load %arg8[%get3A_132, %get3A_133] {strides = array<i32>} : memref<4x128xi32, #tpu.memory_space<vmem>>, vector<16xi32>,
    %mul3A_135 = arith.constant 1000 : i32
    %mul3A_136 = vector.broadcast %mul3A_135 : i32 to vector<16xi32>
    %mul3A_137 = arith.muli %get3A_130, %mul3A_136 : vector<16xi32>
    %add3A_138 = arith.addi %mul3A_137, %get3A_134 : vector<16xi32>
    %swap3A_139 = arith.constant 0 : i32
    %swap3A_140 = arith.index_cast %swap3A_139 : i32 to index
    %swap3A_141 = arith.constant 112 : index
    %swap3A_142 = tpu.vector_load %arg9[%swap3A_140, %swap3A_141] {strides = array<i32>} : memref<4x128xi32, #tpu.memory_space<vmem>>, vector<16xi32>,
    tpu.vector_store %arg9[%swap3A_140, %swap3A_141], %add3A_138 {strides = array<i32>} : memref<4x128xi32, #tpu.memory_space<vmem>>, vector<16xi32>,
    %dma_start3A_143 = arith.constant 0 : i32
    %dma_start3A_144 = arith.constant 0 : i32
    %dma_start3A_145 = arith.constant 0 : i32
    %dma_start3A_146 = tpu.memref_slice %arg10[%dma_start3A_144, %dma_start3A_145] : memref<4x128xi32, #tpu.memory_space<vmem>> -> memref<1x128xi32, #tpu.memory_space<vmem>>
    %dma_start3A_147 = tpu.memref_squeeze %dma_start3A_146 : memref<1x128xi32, #tpu.memory_space<vmem>> -> memref<128xi32, #tpu.memory_space<vmem>>
    %dma_start3A_148 = arith.constant 0 : i32
    %dma_start3A_149 = tpu.memref_slice %arg9[%dma_start3A_143, %dma_start3A_148] : memref<4x128xi32, #tpu.memory_space<vmem>> -> memref<1x128xi32, #tpu.memory_space<vmem>>
    %dma_start3A_150 = tpu.memref_squeeze %dma_start3A_149 : memref<1x128xi32, #tpu.memory_space<vmem>> -> memref<128xi32, #tpu.memory_space<vmem>>
    %dma_start3A_151 = arith.constant 0 : i32
    %dma_start3A_152 = tpu.memref_slice %arg4[%dma_start3A_151] : memref<1000000xi32, #tpu.memory_space<hbm>> -> memref<1000000xi32, #tpu.memory_space<hbm>>
    tpu.enqueue_indirect_dma source(%dma_start3A_152 : memref<1000000xi32, #tpu.memory_space<hbm>>) target(%dma_start3A_147 : memref<128xi32, #tpu.memory_space<vmem>>) offsets(%dma_start3A_150 : memref<128xi32, #tpu.memory_space<vmem>>) semaphore(%arg15 : memref<!tpu.dma_semaphore, #tpu.memory_space<semaphore_mem>>)
    %get3A_153 = arith.constant 1 : i32
    %get3A_154 = arith.index_cast %get3A_153 : i32 to index
    %get3A_155 = arith.constant 0 : index
    %get3A_156 = tpu.vector_load %arg7[%get3A_154, %get3A_155] {strides = array<i32>} : memref<4x128xi32, #tpu.memory_space<vmem>>, vector<16xi32>,
    %get3A_157 = arith.constant 1 : i32
    %get3A_158 = arith.index_cast %get3A_157 : i32 to index
    %get3A_159 = arith.constant 0 : index
    %get3A_160 = tpu.vector_load %arg8[%get3A_158, %get3A_159] {strides = array<i32>} : memref<4x128xi32, #tpu.memory_space<vmem>>, vector<16xi32>,
    %mul3A_161 = arith.constant 1000 : i32
    %mul3A_162 = vector.broadcast %mul3A_161 : i32 to vector<16xi32>
    %mul3A_163 = arith.muli %get3A_156, %mul3A_162 : vector<16xi32>
    %add3A_164 = arith.addi %mul3A_163, %get3A_160 : vector<16xi32>
    %swap3A_165 = arith.constant 1 : i32
    %swap3A_166 = arith.index_cast %swap3A_165 : i32 to index
    %swap3A_167 = arith.constant 0 : index
    %swap3A_168 = tpu.vector_load %arg9[%swap3A_166, %swap3A_167] {strides = array<i32>} : memref<4x128xi32, #tpu.memory_space<vmem>>, vector<16xi32>,
    tpu.vector_store %arg9[%swap3A_166, %swap3A_167], %add3A_164 {strides = array<i32>} : memref<4x128xi32, #tpu.memory_space<vmem>>, vector<16xi32>,
    %get3A_169 = arith.constant 1 : i32
    %get3A_170 = arith.index_cast %get3A_169 : i32 to index
    %get3A_171 = arith.constant 16 : index
    %get3A_172 = tpu.vector_load %arg7[%get3A_170, %get3A_171] {strides = array<i32>} : memref<4x128xi32, #tpu.memory_space<vmem>>, vector<16xi32>,
    %get3A_173 = arith.constant 1 : i32
    %get3A_174 = arith.index_cast %get3A_173 : i32 to index
    %get3A_175 = arith.constant 16 : index
    %get3A_176 = tpu.vector_load %arg8[%get3A_174, %get3A_175] {strides = array<i32>} : memref<4x128xi32, #tpu.memory_space<vmem>>, vector<16xi32>,
    %mul3A_177 = arith.constant 1000 : i32
    %mul3A_178 = vector.broadcast %mul3A_177 : i32 to vector<16xi32>
    %mul3A_179 = arith.muli %get3A_172, %mul3A_178 : vector<16xi32>
    %add3A_180 = arith.addi %mul3A_179, %get3A_176 : vector<16xi32>
    %swap3A_181 = arith.constant 1 : i32
    %swap3A_182 = arith.index_cast %swap3A_181 : i32 to index
    %swap3A_183 = arith.constant 16 : index
    %swap3A_184 = tpu.vector_load %arg9[%swap3A_182, %swap3A_183] {strides = array<i32>} : memref<4x128xi32, #tpu.memory_space<vmem>>, vector<16xi32>,
    tpu.vector_store %arg9[%swap3A_182, %swap3A_183], %add3A_180 {strides = array<i32>} : memref<4x128xi32, #tpu.memory_space<vmem>>, vector<16xi32>,
    %get3A_185 = arith.constant 1 : i32
    %get3A_186 = arith.index_cast %get3A_185 : i32 to index
    %get3A_187 = arith.constant 32 : index
    %get3A_188 = tpu.vector_load %arg7[%get3A_186, %get3A_187] {strides = array<i32>} : memref<4x128xi32, #tpu.memory_space<vmem>>, vector<16xi32>,
    %get3A_189 = arith.constant 1 : i32
    %get3A_190 = arith.index_cast %get3A_189 : i32 to index
    %get3A_191 = arith.constant 32 : index
    %get3A_192 = tpu.vector_load %arg8[%get3A_190, %get3A_191] {strides = array<i32>} : memref<4x128xi32, #tpu.memory_space<vmem>>, vector<16xi32>,
    %mul3A_193 = arith.constant 1000 : i32
    %mul3A_194 = vector.broadcast %mul3A_193 : i32 to vector<16xi32>
    %mul3A_195 = arith.muli %get3A_188, %mul3A_194 : vector<16xi32>
    %add3A_196 = arith.addi %mul3A_195, %get3A_192 : vector<16xi32>
    %swap3A_197 = arith.constant 1 : i32
    %swap3A_198 = arith.index_cast %swap3A_197 : i32 to index
    %swap3A_199 = arith.constant 32 : index
    %swap3A_200 = tpu.vector_load %arg9[%swap3A_198, %swap3A_199] {strides = array<i32>} : memref<4x128xi32, #tpu.memory_space<vmem>>, vector<16xi32>,
    tpu.vector_store %arg9[%swap3A_198, %swap3A_199], %add3A_196 {strides = array<i32>} : memref<4x128xi32, #tpu.memory_space<vmem>>, vector<16xi32>,
    %get3A_201 = arith.constant 1 : i32
    %get3A_202 = arith.index_cast %get3A_201 : i32 to index
    %get3A_203 = arith.constant 48 : index
    %get3A_204 = tpu.vector_load %arg7[%get3A_202, %get3A_203] {strides = array<i32>} : memref<4x128xi32, #tpu.memory_space<vmem>>, vector<16xi32>,
    %get3A_205 = arith.constant 1 : i32
    %get3A_206 = arith.index_cast %get3A_205 : i32 to index
    %get3A_207 = arith.constant 48 : index
    %get3A_208 = tpu.vector_load %arg8[%get3A_206, %get3A_207] {strides = array<i32>} : memref<4x128xi32, #tpu.memory_space<vmem>>, vector<16xi32>,
    %mul3A_209 = arith.constant 1000 : i32
    %mul3A_210 = vector.broadcast %mul3A_209 : i32 to vector<16xi32>
    %mul3A_211 = arith.muli %get3A_204, %mul3A_210 : vector<16xi32>
    %add3A_212 = arith.addi %mul3A_211, %get3A_208 : vector<16xi32>
    %swap3A_213 = arith.constant 1 : i32
    %swap3A_214 = arith.index_cast %swap3A_213 : i32 to index
    %swap3A_215 = arith.constant 48 : index
    %swap3A_216 = tpu.vector_load %arg9[%swap3A_214, %swap3A_215] {strides = array<i32>} : memref<4x128xi32, #tpu.memory_space<vmem>>, vector<16xi32>,
    tpu.vector_store %arg9[%swap3A_214, %swap3A_215], %add3A_212 {strides = array<i32>} : memref<4x128xi32, #tpu.memory_space<vmem>>, vector<16xi32>,
    %get3A_217 = arith.constant 1 : i32
    %get3A_218 = arith.index_cast %get3A_217 : i32 to index
    %get3A_219 = arith.constant 64 : index
    %get3A_220 = tpu.vector_load %arg7[%get3A_218, %get3A_219] {strides = array<i32>} : memref<4x128xi32, #tpu.memory_space<vmem>>, vector<16xi32>,
    %get3A_221 = arith.constant 1 : i32
    %get3A_222 = arith.index_cast %get3A_221 : i32 to index
    %get3A_223 = arith.constant 64 : index
    %get3A_224 = tpu.vector_load %arg8[%get3A_222, %get3A_223] {strides = array<i32>} : memref<4x128xi32, #tpu.memory_space<vmem>>, vector<16xi32>,
    %mul3A_225 = arith.constant 1000 : i32
    %mul3A_226 = vector.broadcast %mul3A_225 : i32 to vector<16xi32>
    %mul3A_227 = arith.muli %get3A_220, %mul3A_226 : vector<16xi32>
    %add3A_228 = arith.addi %mul3A_227, %get3A_224 : vector<16xi32>
    %swap3A_229 = arith.constant 1 : i32
    %swap3A_230 = arith.index_cast %swap3A_229 : i32 to index
    %swap3A_231 = arith.constant 64 : index
    %swap3A_232 = tpu.vector_load %arg9[%swap3A_230, %swap3A_231] {strides = array<i32>} : memref<4x128xi32, #tpu.memory_space<vmem>>, vector<16xi32>,
    tpu.vector_store %arg9[%swap3A_230, %swap3A_231], %add3A_228 {strides = array<i32>} : memref<4x128xi32, #tpu.memory_space<vmem>>, vector<16xi32>,
    %get3A_233 = arith.constant 1 : i32
    %get3A_234 = arith.index_cast %get3A_233 : i32 to index
    %get3A_235 = arith.constant 80 : index
    %get3A_236 = tpu.vector_load %arg7[%get3A_234, %get3A_235] {strides = array<i32>} : memref<4x128xi32, #tpu.memory_space<vmem>>, vector<16xi32>,
    %get3A_237 = arith.constant 1 : i32
    %get3A_238 = arith.index_cast %get3A_237 : i32 to index
    %get3A_239 = arith.constant 80 : index
    %get3A_240 = tpu.vector_load %arg8[%get3A_238, %get3A_239] {strides = array<i32>} : memref<4x128xi32, #tpu.memory_space<vmem>>, vector<16xi32>,
    %mul3A_241 = arith.constant 1000 : i32
    %mul3A_242 = vector.broadcast %mul3A_241 : i32 to vector<16xi32>
    %mul3A_243 = arith.muli %get3A_236, %mul3A_242 : vector<16xi32>
    %add3A_244 = arith.addi %mul3A_243, %get3A_240 : vector<16xi32>
    %swap3A_245 = arith.constant 1 : i32
    %swap3A_246 = arith.index_cast %swap3A_245 : i32 to index
    %swap3A_247 = arith.constant 80 : index
    %swap3A_248 = tpu.vector_load %arg9[%swap3A_246, %swap3A_247] {strides = array<i32>} : memref<4x128xi32, #tpu.memory_space<vmem>>, vector<16xi32>,
    tpu.vector_store %arg9[%swap3A_246, %swap3A_247], %add3A_244 {strides = array<i32>} : memref<4x128xi32, #tpu.memory_space<vmem>>, vector<16xi32>,
    %get3A_249 = arith.constant 1 : i32
    %get3A_250 = arith.index_cast %get3A_249 : i32 to index
    %get3A_251 = arith.constant 96 : index
    %get3A_252 = tpu.vector_load %arg7[%get3A_250, %get3A_251] {strides = array<i32>} : memref<4x128xi32, #tpu.memory_space<vmem>>, vector<16xi32>,
    %get3A_253 = arith.constant 1 : i32
    %get3A_254 = arith.index_cast %get3A_253 : i32 to index
    %get3A_255 = arith.constant 96 : index
    %get3A_256 = tpu.vector_load %arg8[%get3A_254, %get3A_255] {strides = array<i32>} : memref<4x128xi32, #tpu.memory_space<vmem>>, vector<16xi32>,
    %mul3A_257 = arith.constant 1000 : i32
    %mul3A_258 = vector.broadcast %mul3A_257 : i32 to vector<16xi32>
    %mul3A_259 = arith.muli %get3A_252, %mul3A_258 : vector<16xi32>
    %add3A_260 = arith.addi %mul3A_259, %get3A_256 : vector<16xi32>
    %swap3A_261 = arith.constant 1 : i32
    %swap3A_262 = arith.index_cast %swap3A_261 : i32 to index
    %swap3A_263 = arith.constant 96 : index
    %swap3A_264 = tpu.vector_load %arg9[%swap3A_262, %swap3A_263] {strides = array<i32>} : memref<4x128xi32, #tpu.memory_space<vmem>>, vector<16xi32>,
    tpu.vector_store %arg9[%swap3A_262, %swap3A_263], %add3A_260 {strides = array<i32>} : memref<4x128xi32, #tpu.memory_space<vmem>>, vector<16xi32>,
    %get3A_265 = arith.constant 1 : i32
    %get3A_266 = arith.index_cast %get3A_265 : i32 to index
    %get3A_267 = arith.constant 112 : index
    %get3A_268 = tpu.vector_load %arg7[%get3A_266, %get3A_267] {strides = array<i32>} : memref<4x128xi32, #tpu.memory_space<vmem>>, vector<16xi32>,
    %get3A_269 = arith.constant 1 : i32
    %get3A_270 = arith.index_cast %get3A_269 : i32 to index
    %get3A_271 = arith.constant 112 : index
    %get3A_272 = tpu.vector_load %arg8[%get3A_270, %get3A_271] {strides = array<i32>} : memref<4x128xi32, #tpu.memory_space<vmem>>, vector<16xi32>,
    %mul3A_273 = arith.constant 1000 : i32
    %mul3A_274 = vector.broadcast %mul3A_273 : i32 to vector<16xi32>
    %mul3A_275 = arith.muli %get3A_268, %mul3A_274 : vector<16xi32>
    %add3A_276 = arith.addi %mul3A_275, %get3A_272 : vector<16xi32>
    %swap3A_277 = arith.constant 1 : i32
    %swap3A_278 = arith.index_cast %swap3A_277 : i32 to index
    %swap3A_279 = arith.constant 112 : index
    %swap3A_280 = tpu.vector_load %arg9[%swap3A_278, %swap3A_279] {strides = array<i32>} : memref<4x128xi32, #tpu.memory_space<vmem>>, vector<16xi32>,
    tpu.vector_store %arg9[%swap3A_278, %swap3A_279], %add3A_276 {strides = array<i32>} : memref<4x128xi32, #tpu.memory_space<vmem>>, vector<16xi32>,
    %dma_start3A_281 = arith.constant 1 : i32
    %dma_start3A_282 = arith.constant 1 : i32
    %dma_start3A_283 = arith.constant 0 : i32
    %dma_start3A_284 = tpu.memref_slice %arg10[%dma_start3A_282, %dma_start3A_283] : memref<4x128xi32, #tpu.memory_space<vmem>> -> memref<1x128xi32, #tpu.memory_space<vmem>>
    %dma_start3A_285 = tpu.memref_squeeze %dma_start3A_284 : memref<1x128xi32, #tpu.memory_space<vmem>> -> memref<128xi32, #tpu.memory_space<vmem>>
    %dma_start3A_286 = arith.constant 0 : i32
    %dma_start3A_287 = tpu.memref_slice %arg9[%dma_start3A_281, %dma_start3A_286] : memref<4x128xi32, #tpu.memory_space<vmem>> -> memref<1x128xi32, #tpu.memory_space<vmem>>
    %dma_start3A_288 = tpu.memref_squeeze %dma_start3A_287 : memref<1x128xi32, #tpu.memory_space<vmem>> -> memref<128xi32, #tpu.memory_space<vmem>>
    %dma_start3A_289 = arith.constant 0 : i32
    %dma_start3A_290 = tpu.memref_slice %arg4[%dma_start3A_289] : memref<1000000xi32, #tpu.memory_space<hbm>> -> memref<1000000xi32, #tpu.memory_space<hbm>>
    tpu.enqueue_indirect_dma source(%dma_start3A_290 : memref<1000000xi32, #tpu.memory_space<hbm>>) target(%dma_start3A_285 : memref<128xi32, #tpu.memory_space<vmem>>) offsets(%dma_start3A_288 : memref<128xi32, #tpu.memory_space<vmem>>) semaphore(%arg16 : memref<!tpu.dma_semaphore, #tpu.memory_space<semaphore_mem>>)
    %get3A_291 = arith.constant 2 : i32
    %get3A_292 = arith.index_cast %get3A_291 : i32 to index
    %get3A_293 = arith.constant 0 : index
    %get3A_294 = tpu.vector_load %arg7[%get3A_292, %get3A_293] {strides = array<i32>} : memref<4x128xi32, #tpu.memory_space<vmem>>, vector<16xi32>,
    %get3A_295 = arith.constant 2 : i32
    %get3A_296 = arith.index_cast %get3A_295 : i32 to index
    %get3A_297 = arith.constant 0 : index
    %get3A_298 = tpu.vector_load %arg8[%get3A_296, %get3A_297] {strides = array<i32>} : memref<4x128xi32, #tpu.memory_space<vmem>>, vector<16xi32>,
    %mul3A_299 = arith.constant 1000 : i32
    %mul3A_300 = vector.broadcast %mul3A_299 : i32 to vector<16xi32>
    %mul3A_301 = arith.muli %get3A_294, %mul3A_300 : vector<16xi32>
    %add3A_302 = arith.addi %mul3A_301, %get3A_298 : vector<16xi32>
    %swap3A_303 = arith.constant 2 : i32
    %swap3A_304 = arith.index_cast %swap3A_303 : i32 to index
    %swap3A_305 = arith.constant 0 : index
    %swap3A_306 = tpu.vector_load %arg9[%swap3A_304, %swap3A_305] {strides = array<i32>} : memref<4x128xi32, #tpu.memory_space<vmem>>, vector<16xi32>,
    tpu.vector_store %arg9[%swap3A_304, %swap3A_305], %add3A_302 {strides = array<i32>} : memref<4x128xi32, #tpu.memory_space<vmem>>, vector<16xi32>,
    %get3A_307 = arith.constant 2 : i32
    %get3A_308 = arith.index_cast %get3A_307 : i32 to index
    %get3A_309 = arith.constant 16 : index
    %get3A_310 = tpu.vector_load %arg7[%get3A_308, %get3A_309] {strides = array<i32>} : memref<4x128xi32, #tpu.memory_space<vmem>>, vector<16xi32>,
    %get3A_311 = arith.constant 2 : i32
    %get3A_312 = arith.index_cast %get3A_311 : i32 to index
    %get3A_313 = arith.constant 16 : index
    %get3A_314 = tpu.vector_load %arg8[%get3A_312, %get3A_313] {strides = array<i32>} : memref<4x128xi32, #tpu.memory_space<vmem>>, vector<16xi32>,
    %mul3A_315 = arith.constant 1000 : i32
    %mul3A_316 = vector.broadcast %mul3A_315 : i32 to vector<16xi32>
    %mul3A_317 = arith.muli %get3A_310, %mul3A_316 : vector<16xi32>
    %add3A_318 = arith.addi %mul3A_317, %get3A_314 : vector<16xi32>
    %swap3A_319 = arith.constant 2 : i32
    %swap3A_320 = arith.index_cast %swap3A_319 : i32 to index
    %swap3A_321 = arith.constant 16 : index
    %swap3A_322 = tpu.vector_load %arg9[%swap3A_320, %swap3A_321] {strides = array<i32>} : memref<4x128xi32, #tpu.memory_space<vmem>>, vector<16xi32>,
    tpu.vector_store %arg9[%swap3A_320, %swap3A_321], %add3A_318 {strides = array<i32>} : memref<4x128xi32, #tpu.memory_space<vmem>>, vector<16xi32>,
    %get3A_323 = arith.constant 2 : i32
    %get3A_324 = arith.index_cast %get3A_323 : i32 to index
    %get3A_325 = arith.constant 32 : index
    %get3A_326 = tpu.vector_load %arg7[%get3A_324, %get3A_325] {strides = array<i32>} : memref<4x128xi32, #tpu.memory_space<vmem>>, vector<16xi32>,
    %get3A_327 = arith.constant 2 : i32
    %get3A_328 = arith.index_cast %get3A_327 : i32 to index
    %get3A_329 = arith.constant 32 : index
    %get3A_330 = tpu.vector_load %arg8[%get3A_328, %get3A_329] {strides = array<i32>} : memref<4x128xi32, #tpu.memory_space<vmem>>, vector<16xi32>,
    %mul3A_331 = arith.constant 1000 : i32
    %mul3A_332 = vector.broadcast %mul3A_331 : i32 to vector<16xi32>
    %mul3A_333 = arith.muli %get3A_326, %mul3A_332 : vector<16xi32>
    %add3A_334 = arith.addi %mul3A_333, %get3A_330 : vector<16xi32>
    %swap3A_335 = arith.constant 2 : i32
    %swap3A_336 = arith.index_cast %swap3A_335 : i32 to index
    %swap3A_337 = arith.constant 32 : index
    %swap3A_338 = tpu.vector_load %arg9[%swap3A_336, %swap3A_337] {strides = array<i32>} : memref<4x128xi32, #tpu.memory_space<vmem>>, vector<16xi32>,
    tpu.vector_store %arg9[%swap3A_336, %swap3A_337], %add3A_334 {strides = array<i32>} : memref<4x128xi32, #tpu.memory_space<vmem>>, vector<16xi32>,
    %get3A_339 = arith.constant 2 : i32
    %get3A_340 = arith.index_cast %get3A_339 : i32 to index
    %get3A_341 = arith.constant 48 : index
    %get3A_342 = tpu.vector_load %arg7[%get3A_340, %get3A_341] {strides = array<i32>} : memref<4x128xi32, #tpu.memory_space<vmem>>, vector<16xi32>,
    %get3A_343 = arith.constant 2 : i32
    %get3A_344 = arith.index_cast %get3A_343 : i32 to index
    %get3A_345 = arith.constant 48 : index
    %get3A_346 = tpu.vector_load %arg8[%get3A_344, %get3A_345] {strides = array<i32>} : memref<4x128xi32, #tpu.memory_space<vmem>>, vector<16xi32>,
    %mul3A_347 = arith.constant 1000 : i32
    %mul3A_348 = vector.broadcast %mul3A_347 : i32 to vector<16xi32>
    %mul3A_349 = arith.muli %get3A_342, %mul3A_348 : vector<16xi32>
    %add3A_350 = arith.addi %mul3A_349, %get3A_346 : vector<16xi32>
    %swap3A_351 = arith.constant 2 : i32
    %swap3A_352 = arith.index_cast %swap3A_351 : i32 to index
    %swap3A_353 = arith.constant 48 : index
    %swap3A_354 = tpu.vector_load %arg9[%swap3A_352, %swap3A_353] {strides = array<i32>} : memref<4x128xi32, #tpu.memory_space<vmem>>, vector<16xi32>,
    tpu.vector_store %arg9[%swap3A_352, %swap3A_353], %add3A_350 {strides = array<i32>} : memref<4x128xi32, #tpu.memory_space<vmem>>, vector<16xi32>,
    %get3A_355 = arith.constant 2 : i32
    %get3A_356 = arith.index_cast %get3A_355 : i32 to index
    %get3A_357 = arith.constant 64 : index
    %get3A_358 = tpu.vector_load %arg7[%get3A_356, %get3A_357] {strides = array<i32>} : memref<4x128xi32, #tpu.memory_space<vmem>>, vector<16xi32>,
    %get3A_359 = arith.constant 2 : i32
    %get3A_360 = arith.index_cast %get3A_359 : i32 to index
    %get3A_361 = arith.constant 64 : index
    %get3A_362 = tpu.vector_load %arg8[%get3A_360, %get3A_361] {strides = array<i32>} : memref<4x128xi32, #tpu.memory_space<vmem>>, vector<16xi32>,
    %mul3A_363 = arith.constant 1000 : i32
    %mul3A_364 = vector.broadcast %mul3A_363 : i32 to vector<16xi32>
    %mul3A_365 = arith.muli %get3A_358, %mul3A_364 : vector<16xi32>
    %add3A_366 = arith.addi %mul3A_365, %get3A_362 : vector<16xi32>
    %swap3A_367 = arith.constant 2 : i32
    %swap3A_368 = arith.index_cast %swap3A_367 : i32 to index
    %swap3A_369 = arith.constant 64 : index
    %swap3A_370 = tpu.vector_load %arg9[%swap3A_368, %swap3A_369] {strides = array<i32>} : memref<4x128xi32, #tpu.memory_space<vmem>>, vector<16xi32>,
    tpu.vector_store %arg9[%swap3A_368, %swap3A_369], %add3A_366 {strides = array<i32>} : memref<4x128xi32, #tpu.memory_space<vmem>>, vector<16xi32>,
    %get3A_371 = arith.constant 2 : i32
    %get3A_372 = arith.index_cast %get3A_371 : i32 to index
    %get3A_373 = arith.constant 80 : index
    %get3A_374 = tpu.vector_load %arg7[%get3A_372, %get3A_373] {strides = array<i32>} : memref<4x128xi32, #tpu.memory_space<vmem>>, vector<16xi32>,
    %get3A_375 = arith.constant 2 : i32
    %get3A_376 = arith.index_cast %get3A_375 : i32 to index
    %get3A_377 = arith.constant 80 : index
    %get3A_378 = tpu.vector_load %arg8[%get3A_376, %get3A_377] {strides = array<i32>} : memref<4x128xi32, #tpu.memory_space<vmem>>, vector<16xi32>,
    %mul3A_379 = arith.constant 1000 : i32
    %mul3A_380 = vector.broadcast %mul3A_379 : i32 to vector<16xi32>
    %mul3A_381 = arith.muli %get3A_374, %mul3A_380 : vector<16xi32>
    %add3A_382 = arith.addi %mul3A_381, %get3A_378 : vector<16xi32>
    %swap3A_383 = arith.constant 2 : i32
    %swap3A_384 = arith.index_cast %swap3A_383 : i32 to index
    %swap3A_385 = arith.constant 80 : index
    %swap3A_386 = tpu.vector_load %arg9[%swap3A_384, %swap3A_385] {strides = array<i32>} : memref<4x128xi32, #tpu.memory_space<vmem>>, vector<16xi32>,
    tpu.vector_store %arg9[%swap3A_384, %swap3A_385], %add3A_382 {strides = array<i32>} : memref<4x128xi32, #tpu.memory_space<vmem>>, vector<16xi32>,
    %get3A_387 = arith.constant 2 : i32
    %get3A_388 = arith.index_cast %get3A_387 : i32 to index
    %get3A_389 = arith.constant 96 : index
    %get3A_390 = tpu.vector_load %arg7[%get3A_388, %get3A_389] {strides = array<i32>} : memref<4x128xi32, #tpu.memory_space<vmem>>, vector<16xi32>,
    %get3A_391 = arith.constant 2 : i32
    %get3A_392 = arith.index_cast %get3A_391 : i32 to index
    %get3A_393 = arith.constant 96 : index
    %get3A_394 = tpu.vector_load %arg8[%get3A_392, %get3A_393] {strides = array<i32>} : memref<4x128xi32, #tpu.memory_space<vmem>>, vector<16xi32>,
    %mul3A_395 = arith.constant 1000 : i32
    %mul3A_396 = vector.broadcast %mul3A_395 : i32 to vector<16xi32>
    %mul3A_397 = arith.muli %get3A_390, %mul3A_396 : vector<16xi32>
    %add3A_398 = arith.addi %mul3A_397, %get3A_394 : vector<16xi32>
    %swap3A_399 = arith.constant 2 : i32
    %swap3A_400 = arith.index_cast %swap3A_399 : i32 to index
    %swap3A_401 = arith.constant 96 : index
    %swap3A_402 = tpu.vector_load %arg9[%swap3A_400, %swap3A_401] {strides = array<i32>} : memref<4x128xi32, #tpu.memory_space<vmem>>, vector<16xi32>,
    tpu.vector_store %arg9[%swap3A_400, %swap3A_401], %add3A_398 {strides = array<i32>} : memref<4x128xi32, #tpu.memory_space<vmem>>, vector<16xi32>,
    %get3A_403 = arith.constant 2 : i32
    %get3A_404 = arith.index_cast %get3A_403 : i32 to index
    %get3A_405 = arith.constant 112 : index
    %get3A_406 = tpu.vector_load %arg7[%get3A_404, %get3A_405] {strides = array<i32>} : memref<4x128xi32, #tpu.memory_space<vmem>>, vector<16xi32>,
    %get3A_407 = arith.constant 2 : i32
    %get3A_408 = arith.index_cast %get3A_407 : i32 to index
    %get3A_409 = arith.constant 112 : index
    %get3A_410 = tpu.vector_load %arg8[%get3A_408, %get3A_409] {strides = array<i32>} : memref<4x128xi32, #tpu.memory_space<vmem>>, vector<16xi32>,
    %mul3A_411 = arith.constant 1000 : i32
    %mul3A_412 = vector.broadcast %mul3A_411 : i32 to vector<16xi32>
    %mul3A_413 = arith.muli %get3A_406, %mul3A_412 : vector<16xi32>
    %add3A_414 = arith.addi %mul3A_413, %get3A_410 : vector<16xi32>
    %swap3A_415 = arith.constant 2 : i32
    %swap3A_416 = arith.index_cast %swap3A_415 : i32 to index
    %swap3A_417 = arith.constant 112 : index
    %swap3A_418 = tpu.vector_load %arg9[%swap3A_416, %swap3A_417] {strides = array<i32>} : memref<4x128xi32, #tpu.memory_space<vmem>>, vector<16xi32>,
    tpu.vector_store %arg9[%swap3A_416, %swap3A_417], %add3A_414 {strides = array<i32>} : memref<4x128xi32, #tpu.memory_space<vmem>>, vector<16xi32>,
    %dma_start3A_419 = arith.constant 2 : i32
    %dma_start3A_420 = arith.constant 2 : i32
    %dma_start3A_421 = arith.constant 0 : i32
    %dma_start3A_422 = tpu.memref_slice %arg10[%dma_start3A_420, %dma_start3A_421] : memref<4x128xi32, #tpu.memory_space<vmem>> -> memref<1x128xi32, #tpu.memory_space<vmem>>
    %dma_start3A_423 = tpu.memref_squeeze %dma_start3A_422 : memref<1x128xi32, #tpu.memory_space<vmem>> -> memref<128xi32, #tpu.memory_space<vmem>>
    %dma_start3A_424 = arith.constant 0 : i32
    %dma_start3A_425 = tpu.memref_slice %arg9[%dma_start3A_419, %dma_start3A_424] : memref<4x128xi32, #tpu.memory_space<vmem>> -> memref<1x128xi32, #tpu.memory_space<vmem>>
    %dma_start3A_426 = tpu.memref_squeeze %dma_start3A_425 : memref<1x128xi32, #tpu.memory_space<vmem>> -> memref<128xi32, #tpu.memory_space<vmem>>
    %dma_start3A_427 = arith.constant 0 : i32
    %dma_start3A_428 = tpu.memref_slice %arg4[%dma_start3A_427] : memref<1000000xi32, #tpu.memory_space<hbm>> -> memref<1000000xi32, #tpu.memory_space<hbm>>
    tpu.enqueue_indirect_dma source(%dma_start3A_428 : memref<1000000xi32, #tpu.memory_space<hbm>>) target(%dma_start3A_423 : memref<128xi32, #tpu.memory_space<vmem>>) offsets(%dma_start3A_426 : memref<128xi32, #tpu.memory_space<vmem>>) semaphore(%arg17 : memref<!tpu.dma_semaphore, #tpu.memory_space<semaphore_mem>>)
    %get3A_429 = arith.constant 3 : i32
    %get3A_430 = arith.index_cast %get3A_429 : i32 to index
    %get3A_431 = arith.constant 0 : index
    %get3A_432 = tpu.vector_load %arg7[%get3A_430, %get3A_431] {strides = array<i32>} : memref<4x128xi32, #tpu.memory_space<vmem>>, vector<16xi32>,
    %get3A_433 = arith.constant 3 : i32
    %get3A_434 = arith.index_cast %get3A_433 : i32 to index
    %get3A_435 = arith.constant 0 : index
    %get3A_436 = tpu.vector_load %arg8[%get3A_434, %get3A_435] {strides = array<i32>} : memref<4x128xi32, #tpu.memory_space<vmem>>, vector<16xi32>,
    %mul3A_437 = arith.constant 1000 : i32
    %mul3A_438 = vector.broadcast %mul3A_437 : i32 to vector<16xi32>
    %mul3A_439 = arith.muli %get3A_432, %mul3A_438 : vector<16xi32>
    %add3A_440 = arith.addi %mul3A_439, %get3A_436 : vector<16xi32>
    %swap3A_441 = arith.constant 3 : i32
    %swap3A_442 = arith.index_cast %swap3A_441 : i32 to index
    %swap3A_443 = arith.constant 0 : index
    %swap3A_444 = tpu.vector_load %arg9[%swap3A_442, %swap3A_443] {strides = array<i32>} : memref<4x128xi32, #tpu.memory_space<vmem>>, vector<16xi32>,
    tpu.vector_store %arg9[%swap3A_442, %swap3A_443], %add3A_440 {strides = array<i32>} : memref<4x128xi32, #tpu.memory_space<vmem>>, vector<16xi32>,
    %get3A_445 = arith.constant 3 : i32
    %get3A_446 = arith.index_cast %get3A_445 : i32 to index
    %get3A_447 = arith.constant 16 : index
    %get3A_448 = tpu.vector_load %arg7[%get3A_446, %get3A_447] {strides = array<i32>} : memref<4x128xi32, #tpu.memory_space<vmem>>, vector<16xi32>,
    %get3A_449 = arith.constant 3 : i32
    %get3A_450 = arith.index_cast %get3A_449 : i32 to index
    %get3A_451 = arith.constant 16 : index
    %get3A_452 = tpu.vector_load %arg8[%get3A_450, %get3A_451] {strides = array<i32>} : memref<4x128xi32, #tpu.memory_space<vmem>>, vector<16xi32>,
    %mul3A_453 = arith.constant 1000 : i32
    %mul3A_454 = vector.broadcast %mul3A_453 : i32 to vector<16xi32>
    %mul3A_455 = arith.muli %get3A_448, %mul3A_454 : vector<16xi32>
    %add3A_456 = arith.addi %mul3A_455, %get3A_452 : vector<16xi32>
    %swap3A_457 = arith.constant 3 : i32
    %swap3A_458 = arith.index_cast %swap3A_457 : i32 to index
    %swap3A_459 = arith.constant 16 : index
    %swap3A_460 = tpu.vector_load %arg9[%swap3A_458, %swap3A_459] {strides = array<i32>} : memref<4x128xi32, #tpu.memory_space<vmem>>, vector<16xi32>,
    tpu.vector_store %arg9[%swap3A_458, %swap3A_459], %add3A_456 {strides = array<i32>} : memref<4x128xi32, #tpu.memory_space<vmem>>, vector<16xi32>,
    %get3A_461 = arith.constant 3 : i32
    %get3A_462 = arith.index_cast %get3A_461 : i32 to index
    %get3A_463 = arith.constant 32 : index
    %get3A_464 = tpu.vector_load %arg7[%get3A_462, %get3A_463] {strides = array<i32>} : memref<4x128xi32, #tpu.memory_space<vmem>>, vector<16xi32>,
    %get3A_465 = arith.constant 3 : i32
    %get3A_466 = arith.index_cast %get3A_465 : i32 to index
    %get3A_467 = arith.constant 32 : index
    %get3A_468 = tpu.vector_load %arg8[%get3A_466, %get3A_467] {strides = array<i32>} : memref<4x128xi32, #tpu.memory_space<vmem>>, vector<16xi32>,
    %mul3A_469 = arith.constant 1000 : i32
    %mul3A_470 = vector.broadcast %mul3A_469 : i32 to vector<16xi32>
    %mul3A_471 = arith.muli %get3A_464, %mul3A_470 : vector<16xi32>
    %add3A_472 = arith.addi %mul3A_471, %get3A_468 : vector<16xi32>
    %swap3A_473 = arith.constant 3 : i32
    %swap3A_474 = arith.index_cast %swap3A_473 : i32 to index
    %swap3A_475 = arith.constant 32 : index
    %swap3A_476 = tpu.vector_load %arg9[%swap3A_474, %swap3A_475] {strides = array<i32>} : memref<4x128xi32, #tpu.memory_space<vmem>>, vector<16xi32>,
    tpu.vector_store %arg9[%swap3A_474, %swap3A_475], %add3A_472 {strides = array<i32>} : memref<4x128xi32, #tpu.memory_space<vmem>>, vector<16xi32>,
    %get3A_477 = arith.constant 3 : i32
    %get3A_478 = arith.index_cast %get3A_477 : i32 to index
    %get3A_479 = arith.constant 48 : index
    %get3A_480 = tpu.vector_load %arg7[%get3A_478, %get3A_479] {strides = array<i32>} : memref<4x128xi32, #tpu.memory_space<vmem>>, vector<16xi32>,
    %get3A_481 = arith.constant 3 : i32
    %get3A_482 = arith.index_cast %get3A_481 : i32 to index
    %get3A_483 = arith.constant 48 : index
    %get3A_484 = tpu.vector_load %arg8[%get3A_482, %get3A_483] {strides = array<i32>} : memref<4x128xi32, #tpu.memory_space<vmem>>, vector<16xi32>,
    %mul3A_485 = arith.constant 1000 : i32
    %mul3A_486 = vector.broadcast %mul3A_485 : i32 to vector<16xi32>
    %mul3A_487 = arith.muli %get3A_480, %mul3A_486 : vector<16xi32>
    %add3A_488 = arith.addi %mul3A_487, %get3A_484 : vector<16xi32>
    %swap3A_489 = arith.constant 3 : i32
    %swap3A_490 = arith.index_cast %swap3A_489 : i32 to index
    %swap3A_491 = arith.constant 48 : index
    %swap3A_492 = tpu.vector_load %arg9[%swap3A_490, %swap3A_491] {strides = array<i32>} : memref<4x128xi32, #tpu.memory_space<vmem>>, vector<16xi32>,
    tpu.vector_store %arg9[%swap3A_490, %swap3A_491], %add3A_488 {strides = array<i32>} : memref<4x128xi32, #tpu.memory_space<vmem>>, vector<16xi32>,
    %get3A_493 = arith.constant 3 : i32
    %get3A_494 = arith.index_cast %get3A_493 : i32 to index
    %get3A_495 = arith.constant 64 : index
    %get3A_496 = tpu.vector_load %arg7[%get3A_494, %get3A_495] {strides = array<i32>} : memref<4x128xi32, #tpu.memory_space<vmem>>, vector<16xi32>,
    %get3A_497 = arith.constant 3 : i32
    %get3A_498 = arith.index_cast %get3A_497 : i32 to index
    %get3A_499 = arith.constant 64 : index
    %get3A_500 = tpu.vector_load %arg8[%get3A_498, %get3A_499] {strides = array<i32>} : memref<4x128xi32, #tpu.memory_space<vmem>>, vector<16xi32>,
    %mul3A_501 = arith.constant 1000 : i32
    %mul3A_502 = vector.broadcast %mul3A_501 : i32 to vector<16xi32>
    %mul3A_503 = arith.muli %get3A_496, %mul3A_502 : vector<16xi32>
    %add3A_504 = arith.addi %mul3A_503, %get3A_500 : vector<16xi32>
    %swap3A_505 = arith.constant 3 : i32
    %swap3A_506 = arith.index_cast %swap3A_505 : i32 to index
    %swap3A_507 = arith.constant 64 : index
    %swap3A_508 = tpu.vector_load %arg9[%swap3A_506, %swap3A_507] {strides = array<i32>} : memref<4x128xi32, #tpu.memory_space<vmem>>, vector<16xi32>,
    tpu.vector_store %arg9[%swap3A_506, %swap3A_507], %add3A_504 {strides = array<i32>} : memref<4x128xi32, #tpu.memory_space<vmem>>, vector<16xi32>,
    %get3A_509 = arith.constant 3 : i32
    %get3A_510 = arith.index_cast %get3A_509 : i32 to index
    %get3A_511 = arith.constant 80 : index
    %get3A_512 = tpu.vector_load %arg7[%get3A_510, %get3A_511] {strides = array<i32>} : memref<4x128xi32, #tpu.memory_space<vmem>>, vector<16xi32>,
    %get3A_513 = arith.constant 3 : i32
    %get3A_514 = arith.index_cast %get3A_513 : i32 to index
    %get3A_515 = arith.constant 80 : index
    %get3A_516 = tpu.vector_load %arg8[%get3A_514, %get3A_515] {strides = array<i32>} : memref<4x128xi32, #tpu.memory_space<vmem>>, vector<16xi32>,
    %mul3A_517 = arith.constant 1000 : i32
    %mul3A_518 = vector.broadcast %mul3A_517 : i32 to vector<16xi32>
    %mul3A_519 = arith.muli %get3A_512, %mul3A_518 : vector<16xi32>
    %add3A_520 = arith.addi %mul3A_519, %get3A_516 : vector<16xi32>
    %swap3A_521 = arith.constant 3 : i32
    %swap3A_522 = arith.index_cast %swap3A_521 : i32 to index
    %swap3A_523 = arith.constant 80 : index
    %swap3A_524 = tpu.vector_load %arg9[%swap3A_522, %swap3A_523] {strides = array<i32>} : memref<4x128xi32, #tpu.memory_space<vmem>>, vector<16xi32>,
    tpu.vector_store %arg9[%swap3A_522, %swap3A_523], %add3A_520 {strides = array<i32>} : memref<4x128xi32, #tpu.memory_space<vmem>>, vector<16xi32>,
    %get3A_525 = arith.constant 3 : i32
    %get3A_526 = arith.index_cast %get3A_525 : i32 to index
    %get3A_527 = arith.constant 96 : index
    %get3A_528 = tpu.vector_load %arg7[%get3A_526, %get3A_527] {strides = array<i32>} : memref<4x128xi32, #tpu.memory_space<vmem>>, vector<16xi32>,
    %get3A_529 = arith.constant 3 : i32
    %get3A_530 = arith.index_cast %get3A_529 : i32 to index
    %get3A_531 = arith.constant 96 : index
    %get3A_532 = tpu.vector_load %arg8[%get3A_530, %get3A_531] {strides = array<i32>} : memref<4x128xi32, #tpu.memory_space<vmem>>, vector<16xi32>,
    %mul3A_533 = arith.constant 1000 : i32
    %mul3A_534 = vector.broadcast %mul3A_533 : i32 to vector<16xi32>
    %mul3A_535 = arith.muli %get3A_528, %mul3A_534 : vector<16xi32>
    %add3A_536 = arith.addi %mul3A_535, %get3A_532 : vector<16xi32>
    %swap3A_537 = arith.constant 3 : i32
    %swap3A_538 = arith.index_cast %swap3A_537 : i32 to index
    %swap3A_539 = arith.constant 96 : index
    %swap3A_540 = tpu.vector_load %arg9[%swap3A_538, %swap3A_539] {strides = array<i32>} : memref<4x128xi32, #tpu.memory_space<vmem>>, vector<16xi32>,
    tpu.vector_store %arg9[%swap3A_538, %swap3A_539], %add3A_536 {strides = array<i32>} : memref<4x128xi32, #tpu.memory_space<vmem>>, vector<16xi32>,
    %get3A_541 = arith.constant 3 : i32
    %get3A_542 = arith.index_cast %get3A_541 : i32 to index
    %get3A_543 = arith.constant 112 : index
    %get3A_544 = tpu.vector_load %arg7[%get3A_542, %get3A_543] {strides = array<i32>} : memref<4x128xi32, #tpu.memory_space<vmem>>, vector<16xi32>,
    %get3A_545 = arith.constant 3 : i32
    %get3A_546 = arith.index_cast %get3A_545 : i32 to index
    %get3A_547 = arith.constant 112 : index
    %get3A_548 = tpu.vector_load %arg8[%get3A_546, %get3A_547] {strides = array<i32>} : memref<4x128xi32, #tpu.memory_space<vmem>>, vector<16xi32>,
    %mul3A_549 = arith.constant 1000 : i32
    %mul3A_550 = vector.broadcast %mul3A_549 : i32 to vector<16xi32>
    %mul3A_551 = arith.muli %get3A_544, %mul3A_550 : vector<16xi32>
    %add3A_552 = arith.addi %mul3A_551, %get3A_548 : vector<16xi32>
    %swap3A_553 = arith.constant 3 : i32
    %swap3A_554 = arith.index_cast %swap3A_553 : i32 to index
    %swap3A_555 = arith.constant 112 : index
    %swap3A_556 = tpu.vector_load %arg9[%swap3A_554, %swap3A_555] {strides = array<i32>} : memref<4x128xi32, #tpu.memory_space<vmem>>, vector<16xi32>,
    tpu.vector_store %arg9[%swap3A_554, %swap3A_555], %add3A_552 {strides = array<i32>} : memref<4x128xi32, #tpu.memory_space<vmem>>, vector<16xi32>,
    %dma_start3A_557 = arith.constant 3 : i32
    %dma_start3A_558 = arith.constant 3 : i32
    %dma_start3A_559 = arith.constant 0 : i32
    %dma_start3A_560 = tpu.memref_slice %arg10[%dma_start3A_558, %dma_start3A_559] : memref<4x128xi32, #tpu.memory_space<vmem>> -> memref<1x128xi32, #tpu.memory_space<vmem>>
    %dma_start3A_561 = tpu.memref_squeeze %dma_start3A_560 : memref<1x128xi32, #tpu.memory_space<vmem>> -> memref<128xi32, #tpu.memory_space<vmem>>
    %dma_start3A_562 = arith.constant 0 : i32
    %dma_start3A_563 = tpu.memref_slice %arg9[%dma_start3A_557, %dma_start3A_562] : memref<4x128xi32, #tpu.memory_space<vmem>> -> memref<1x128xi32, #tpu.memory_space<vmem>>
    %dma_start3A_564 = tpu.memref_squeeze %dma_start3A_563 : memref<1x128xi32, #tpu.memory_space<vmem>> -> memref<128xi32, #tpu.memory_space<vmem>>
    %dma_start3A_565 = arith.constant 0 : i32
    %dma_start3A_566 = tpu.memref_slice %arg4[%dma_start3A_565] : memref<1000000xi32, #tpu.memory_space<hbm>> -> memref<1000000xi32, #tpu.memory_space<hbm>>
    tpu.enqueue_indirect_dma source(%dma_start3A_566 : memref<1000000xi32, #tpu.memory_space<hbm>>) target(%dma_start3A_561 : memref<128xi32, #tpu.memory_space<vmem>>) offsets(%dma_start3A_564 : memref<128xi32, #tpu.memory_space<vmem>>) semaphore(%arg18 : memref<!tpu.dma_semaphore, #tpu.memory_space<semaphore_mem>>)
    tpu.wait_dma2 semaphore(%arg14 : memref<!tpu.dma_semaphore, #tpu.memory_space<semaphore_mem>>) src(%arg5 : memref<1000xf32, #tpu.memory_space<hbm>>) dst(%arg11 : memref<1000xf32, #tpu.memory_space<vmem>>)
    %broadcast_in_dim3A = arith.constant 1.000000e+00 : f32
    %broadcast_in_dim3A_567 = vector.broadcast %broadcast_in_dim3A : f32 to vector<16xf32>
    %broadcast_in_dim3A_568 = arith.constant 0.000000e+00 : f32
    %broadcast_in_dim3A_569 = vector.broadcast %broadcast_in_dim3A_568 : f32 to vector<16xf32>
    %broadcast_in_dim3A_570 = arith.constant 0.000000e+00 : f32
    %broadcast_in_dim3A_571 = vector.broadcast %broadcast_in_dim3A_570 : f32 to vector<16xf32>
    %dma_wait3A_572 = arith.constant 0 : i32
    %dma_wait3A_573 = arith.constant 0 : i32
    %dma_wait3A_574 = arith.constant 0 : i32
    %dma_wait3A_575 = tpu.memref_slice %arg10[%dma_wait3A_573, %dma_wait3A_574] : memref<4x128xi32, #tpu.memory_space<vmem>> -> memref<1x128xi32, #tpu.memory_space<vmem>>
    %dma_wait3A_576 = tpu.memref_squeeze %dma_wait3A_575 : memref<1x128xi32, #tpu.memory_space<vmem>> -> memref<128xi32, #tpu.memory_space<vmem>>
    %dma_wait3A_577 = arith.constant 0 : i32
    %dma_wait3A_578 = tpu.memref_slice %arg9[%dma_wait3A_572, %dma_wait3A_577] : memref<4x128xi32, #tpu.memory_space<vmem>> -> memref<1x128xi32, #tpu.memory_space<vmem>>
    %dma_wait3A_579 = tpu.memref_squeeze %dma_wait3A_578 : memref<1x128xi32, #tpu.memory_space<vmem>> -> memref<128xi32, #tpu.memory_space<vmem>>
    %dma_wait3A_580 = arith.constant 0 : i32
    %dma_wait3A_581 = tpu.memref_slice %arg4[%dma_wait3A_580] : memref<1000000xi32, #tpu.memory_space<hbm>> -> memref<1000000xi32, #tpu.memory_space<hbm>>
    tpu.wait_indirect_dma semaphore(%arg15 : memref<!tpu.dma_semaphore, #tpu.memory_space<semaphore_mem>>) src(%dma_wait3A_581 : memref<1000000xi32, #tpu.memory_space<hbm>>) dst(%dma_wait3A_576 : memref<128xi32, #tpu.memory_space<vmem>>)
    %get3A_582 = arith.constant 0 : i32
    %get3A_583 = arith.index_cast %get3A_582 : i32 to index
    %get3A_584 = arith.constant 0 : index
    %get3A_585 = tpu.vector_load %arg10[%get3A_583, %get3A_584] {strides = array<i32>} : memref<4x128xi32, #tpu.memory_space<vmem>>, vector<16xi32>,
    %get3A_586 = arith.constant 0 : i32
    %get3A_587 = arith.index_cast %get3A_586 : i32 to index
    %get3A_588 = arith.constant 0 : index
    %get3A_589 = tpu.vector_load %arg7[%get3A_587, %get3A_588] {strides = array<i32>} : memref<4x128xi32, #tpu.memory_space<vmem>>, vector<16xi32>,
    %gather3A = tpu.vector_load_idx %arg11[%get3A_585] : memref<1000xf32, #tpu.memory_space<vmem>>[vector<16xi32>], vector<16xf32>,
    %gather3A_590 = tpu.vector_load_idx %arg11[%get3A_589] : memref<1000xf32, #tpu.memory_space<vmem>>[vector<16xi32>], vector<16xf32>,
    %ne3A = arith.cmpf one, %gather3A_590, %broadcast_in_dim3A_569 : vector<16xf32>
    %div3A = arith.divf %gather3A, %gather3A_590 : vector<16xf32>
    %select_n3A = arith.select %ne3A, %div3A, %broadcast_in_dim3A_567 : vector<16xi1>, vector<16xf32>
    %sub3A = arith.subf %broadcast_in_dim3A_567, %select_n3A : vector<16xf32>
    %add3A_591 = arith.addf %broadcast_in_dim3A_571, %sub3A : vector<16xf32>
    %get3A_592 = arith.constant 0 : i32
    %get3A_593 = arith.index_cast %get3A_592 : i32 to index
    %get3A_594 = arith.constant 16 : index
    %get3A_595 = tpu.vector_load %arg10[%get3A_593, %get3A_594] {strides = array<i32>} : memref<4x128xi32, #tpu.memory_space<vmem>>, vector<16xi32>,
    %get3A_596 = arith.constant 0 : i32
    %get3A_597 = arith.index_cast %get3A_596 : i32 to index
    %get3A_598 = arith.constant 16 : index
    %get3A_599 = tpu.vector_load %arg7[%get3A_597, %get3A_598] {strides = array<i32>} : memref<4x128xi32, #tpu.memory_space<vmem>>, vector<16xi32>,
    %gather3A_600 = tpu.vector_load_idx %arg11[%get3A_595] : memref<1000xf32, #tpu.memory_space<vmem>>[vector<16xi32>], vector<16xf32>,
    %gather3A_601 = tpu.vector_load_idx %arg11[%get3A_599] : memref<1000xf32, #tpu.memory_space<vmem>>[vector<16xi32>], vector<16xf32>,
    %ne3A_602 = arith.cmpf one, %gather3A_601, %broadcast_in_dim3A_569 : vector<16xf32>
    %div3A_603 = arith.divf %gather3A_600, %gather3A_601 : vector<16xf32>
    %select_n3A_604 = arith.select %ne3A_602, %div3A_603, %broadcast_in_dim3A_567 : vector<16xi1>, vector<16xf32>
    %sub3A_605 = arith.subf %broadcast_in_dim3A_567, %select_n3A_604 : vector<16xf32>
    %add3A_606 = arith.addf %add3A_591, %sub3A_605 : vector<16xf32>
    %get3A_607 = arith.constant 0 : i32
    %get3A_608 = arith.index_cast %get3A_607 : i32 to index
    %get3A_609 = arith.constant 32 : index
    %get3A_610 = tpu.vector_load %arg10[%get3A_608, %get3A_609] {strides = array<i32>} : memref<4x128xi32, #tpu.memory_space<vmem>>, vector<16xi32>,
    %get3A_611 = arith.constant 0 : i32
    %get3A_612 = arith.index_cast %get3A_611 : i32 to index
    %get3A_613 = arith.constant 32 : index
    %get3A_614 = tpu.vector_load %arg7[%get3A_612, %get3A_613] {strides = array<i32>} : memref<4x128xi32, #tpu.memory_space<vmem>>, vector<16xi32>,
    %gather3A_615 = tpu.vector_load_idx %arg11[%get3A_610] : memref<1000xf32, #tpu.memory_space<vmem>>[vector<16xi32>], vector<16xf32>,
    %gather3A_616 = tpu.vector_load_idx %arg11[%get3A_614] : memref<1000xf32, #tpu.memory_space<vmem>>[vector<16xi32>], vector<16xf32>,
    %ne3A_617 = arith.cmpf one, %gather3A_616, %broadcast_in_dim3A_569 : vector<16xf32>
    %div3A_618 = arith.divf %gather3A_615, %gather3A_616 : vector<16xf32>
    %select_n3A_619 = arith.select %ne3A_617, %div3A_618, %broadcast_in_dim3A_567 : vector<16xi1>, vector<16xf32>
    %sub3A_620 = arith.subf %broadcast_in_dim3A_567, %select_n3A_619 : vector<16xf32>
    %add3A_621 = arith.addf %add3A_606, %sub3A_620 : vector<16xf32>
    %get3A_622 = arith.constant 0 : i32
    %get3A_623 = arith.index_cast %get3A_622 : i32 to index
    %get3A_624 = arith.constant 48 : index
    %get3A_625 = tpu.vector_load %arg10[%get3A_623, %get3A_624] {strides = array<i32>} : memref<4x128xi32, #tpu.memory_space<vmem>>, vector<16xi32>,
    %get3A_626 = arith.constant 0 : i32
    %get3A_627 = arith.index_cast %get3A_626 : i32 to index
    %get3A_628 = arith.constant 48 : index
    %get3A_629 = tpu.vector_load %arg7[%get3A_627, %get3A_628] {strides = array<i32>} : memref<4x128xi32, #tpu.memory_space<vmem>>, vector<16xi32>,
    %gather3A_630 = tpu.vector_load_idx %arg11[%get3A_625] : memref<1000xf32, #tpu.memory_space<vmem>>[vector<16xi32>], vector<16xf32>,
    %gather3A_631 = tpu.vector_load_idx %arg11[%get3A_629] : memref<1000xf32, #tpu.memory_space<vmem>>[vector<16xi32>], vector<16xf32>,
    %ne3A_632 = arith.cmpf one, %gather3A_631, %broadcast_in_dim3A_569 : vector<16xf32>
    %div3A_633 = arith.divf %gather3A_630, %gather3A_631 : vector<16xf32>
    %select_n3A_634 = arith.select %ne3A_632, %div3A_633, %broadcast_in_dim3A_567 : vector<16xi1>, vector<16xf32>
    %sub3A_635 = arith.subf %broadcast_in_dim3A_567, %select_n3A_634 : vector<16xf32>
    %add3A_636 = arith.addf %add3A_621, %sub3A_635 : vector<16xf32>
    %get3A_637 = arith.constant 0 : i32
    %get3A_638 = arith.index_cast %get3A_637 : i32 to index
    %get3A_639 = arith.constant 64 : index
    %get3A_640 = tpu.vector_load %arg10[%get3A_638, %get3A_639] {strides = array<i32>} : memref<4x128xi32, #tpu.memory_space<vmem>>, vector<16xi32>,
    %get3A_641 = arith.constant 0 : i32
    %get3A_642 = arith.index_cast %get3A_641 : i32 to index
    %get3A_643 = arith.constant 64 : index
    %get3A_644 = tpu.vector_load %arg7[%get3A_642, %get3A_643] {strides = array<i32>} : memref<4x128xi32, #tpu.memory_space<vmem>>, vector<16xi32>,
    %gather3A_645 = tpu.vector_load_idx %arg11[%get3A_640] : memref<1000xf32, #tpu.memory_space<vmem>>[vector<16xi32>], vector<16xf32>,
    %gather3A_646 = tpu.vector_load_idx %arg11[%get3A_644] : memref<1000xf32, #tpu.memory_space<vmem>>[vector<16xi32>], vector<16xf32>,
    %ne3A_647 = arith.cmpf one, %gather3A_646, %broadcast_in_dim3A_569 : vector<16xf32>
    %div3A_648 = arith.divf %gather3A_645, %gather3A_646 : vector<16xf32>
    %select_n3A_649 = arith.select %ne3A_647, %div3A_648, %broadcast_in_dim3A_567 : vector<16xi1>, vector<16xf32>
    %sub3A_650 = arith.subf %broadcast_in_dim3A_567, %select_n3A_649 : vector<16xf32>
    %add3A_651 = arith.addf %add3A_636, %sub3A_650 : vector<16xf32>
    %get3A_652 = arith.constant 0 : i32
    %get3A_653 = arith.index_cast %get3A_652 : i32 to index
    %get3A_654 = arith.constant 80 : index
    %get3A_655 = tpu.vector_load %arg10[%get3A_653, %get3A_654] {strides = array<i32>} : memref<4x128xi32, #tpu.memory_space<vmem>>, vector<16xi32>,
    %get3A_656 = arith.constant 0 : i32
    %get3A_657 = arith.index_cast %get3A_656 : i32 to index
    %get3A_658 = arith.constant 80 : index
    %get3A_659 = tpu.vector_load %arg7[%get3A_657, %get3A_658] {strides = array<i32>} : memref<4x128xi32, #tpu.memory_space<vmem>>, vector<16xi32>,
    %gather3A_660 = tpu.vector_load_idx %arg11[%get3A_655] : memref<1000xf32, #tpu.memory_space<vmem>>[vector<16xi32>], vector<16xf32>,
    %gather3A_661 = tpu.vector_load_idx %arg11[%get3A_659] : memref<1000xf32, #tpu.memory_space<vmem>>[vector<16xi32>], vector<16xf32>,
    %ne3A_662 = arith.cmpf one, %gather3A_661, %broadcast_in_dim3A_569 : vector<16xf32>
    %div3A_663 = arith.divf %gather3A_660, %gather3A_661 : vector<16xf32>
    %select_n3A_664 = arith.select %ne3A_662, %div3A_663, %broadcast_in_dim3A_567 : vector<16xi1>, vector<16xf32>
    %sub3A_665 = arith.subf %broadcast_in_dim3A_567, %select_n3A_664 : vector<16xf32>
    %add3A_666 = arith.addf %add3A_651, %sub3A_665 : vector<16xf32>
    %get3A_667 = arith.constant 0 : i32
    %get3A_668 = arith.index_cast %get3A_667 : i32 to index
    %get3A_669 = arith.constant 96 : index
    %get3A_670 = tpu.vector_load %arg10[%get3A_668, %get3A_669] {strides = array<i32>} : memref<4x128xi32, #tpu.memory_space<vmem>>, vector<16xi32>,
    %get3A_671 = arith.constant 0 : i32
    %get3A_672 = arith.index_cast %get3A_671 : i32 to index
    %get3A_673 = arith.constant 96 : index
    %get3A_674 = tpu.vector_load %arg7[%get3A_672, %get3A_673] {strides = array<i32>} : memref<4x128xi32, #tpu.memory_space<vmem>>, vector<16xi32>,
    %gather3A_675 = tpu.vector_load_idx %arg11[%get3A_670] : memref<1000xf32, #tpu.memory_space<vmem>>[vector<16xi32>], vector<16xf32>,
    %gather3A_676 = tpu.vector_load_idx %arg11[%get3A_674] : memref<1000xf32, #tpu.memory_space<vmem>>[vector<16xi32>], vector<16xf32>,
    %ne3A_677 = arith.cmpf one, %gather3A_676, %broadcast_in_dim3A_569 : vector<16xf32>
    %div3A_678 = arith.divf %gather3A_675, %gather3A_676 : vector<16xf32>
    %select_n3A_679 = arith.select %ne3A_677, %div3A_678, %broadcast_in_dim3A_567 : vector<16xi1>, vector<16xf32>
    %sub3A_680 = arith.subf %broadcast_in_dim3A_567, %select_n3A_679 : vector<16xf32>
    %add3A_681 = arith.addf %add3A_666, %sub3A_680 : vector<16xf32>
    %get3A_682 = arith.constant 0 : i32
    %get3A_683 = arith.index_cast %get3A_682 : i32 to index
    %get3A_684 = arith.constant 112 : index
    %get3A_685 = tpu.vector_load %arg10[%get3A_683, %get3A_684] {strides = array<i32>} : memref<4x128xi32, #tpu.memory_space<vmem>>, vector<16xi32>,
    %get3A_686 = arith.constant 0 : i32
    %get3A_687 = arith.index_cast %get3A_686 : i32 to index
    %get3A_688 = arith.constant 112 : index
    %get3A_689 = tpu.vector_load %arg7[%get3A_687, %get3A_688] {strides = array<i32>} : memref<4x128xi32, #tpu.memory_space<vmem>>, vector<16xi32>,
    %gather3A_690 = tpu.vector_load_idx %arg11[%get3A_685] : memref<1000xf32, #tpu.memory_space<vmem>>[vector<16xi32>], vector<16xf32>,
    %gather3A_691 = tpu.vector_load_idx %arg11[%get3A_689] : memref<1000xf32, #tpu.memory_space<vmem>>[vector<16xi32>], vector<16xf32>,
    %ne3A_692 = arith.cmpf one, %gather3A_691, %broadcast_in_dim3A_569 : vector<16xf32>
    %div3A_693 = arith.divf %gather3A_690, %gather3A_691 : vector<16xf32>
    %select_n3A_694 = arith.select %ne3A_692, %div3A_693, %broadcast_in_dim3A_567 : vector<16xi1>, vector<16xf32>
    %sub3A_695 = arith.subf %broadcast_in_dim3A_567, %select_n3A_694 : vector<16xf32>
    %add3A_696 = arith.addf %add3A_681, %sub3A_695 : vector<16xf32>
    %dma_wait3A_697 = arith.constant 1 : i32
    %dma_wait3A_698 = arith.constant 1 : i32
    %dma_wait3A_699 = arith.constant 0 : i32
    %dma_wait3A_700 = tpu.memref_slice %arg10[%dma_wait3A_698, %dma_wait3A_699] : memref<4x128xi32, #tpu.memory_space<vmem>> -> memref<1x128xi32, #tpu.memory_space<vmem>>
    %dma_wait3A_701 = tpu.memref_squeeze %dma_wait3A_700 : memref<1x128xi32, #tpu.memory_space<vmem>> -> memref<128xi32, #tpu.memory_space<vmem>>
    %dma_wait3A_702 = arith.constant 0 : i32
    %dma_wait3A_703 = tpu.memref_slice %arg9[%dma_wait3A_697, %dma_wait3A_702] : memref<4x128xi32, #tpu.memory_space<vmem>> -> memref<1x128xi32, #tpu.memory_space<vmem>>
    %dma_wait3A_704 = tpu.memref_squeeze %dma_wait3A_703 : memref<1x128xi32, #tpu.memory_space<vmem>> -> memref<128xi32, #tpu.memory_space<vmem>>
    %dma_wait3A_705 = arith.constant 0 : i32
    %dma_wait3A_706 = tpu.memref_slice %arg4[%dma_wait3A_705] : memref<1000000xi32, #tpu.memory_space<hbm>> -> memref<1000000xi32, #tpu.memory_space<hbm>>
    tpu.wait_indirect_dma semaphore(%arg16 : memref<!tpu.dma_semaphore, #tpu.memory_space<semaphore_mem>>) src(%dma_wait3A_706 : memref<1000000xi32, #tpu.memory_space<hbm>>) dst(%dma_wait3A_701 : memref<128xi32, #tpu.memory_space<vmem>>)
    %get3A_707 = arith.constant 1 : i32
    %get3A_708 = arith.index_cast %get3A_707 : i32 to index
    %get3A_709 = arith.constant 0 : index
    %get3A_710 = tpu.vector_load %arg10[%get3A_708, %get3A_709] {strides = array<i32>} : memref<4x128xi32, #tpu.memory_space<vmem>>, vector<16xi32>,
    %get3A_711 = arith.constant 1 : i32
    %get3A_712 = arith.index_cast %get3A_711 : i32 to index
    %get3A_713 = arith.constant 0 : index
    %get3A_714 = tpu.vector_load %arg7[%get3A_712, %get3A_713] {strides = array<i32>} : memref<4x128xi32, #tpu.memory_space<vmem>>, vector<16xi32>,
    %gather3A_715 = tpu.vector_load_idx %arg11[%get3A_710] : memref<1000xf32, #tpu.memory_space<vmem>>[vector<16xi32>], vector<16xf32>,
    %gather3A_716 = tpu.vector_load_idx %arg11[%get3A_714] : memref<1000xf32, #tpu.memory_space<vmem>>[vector<16xi32>], vector<16xf32>,
    %ne3A_717 = arith.cmpf one, %gather3A_716, %broadcast_in_dim3A_569 : vector<16xf32>
    %div3A_718 = arith.divf %gather3A_715, %gather3A_716 : vector<16xf32>
    %select_n3A_719 = arith.select %ne3A_717, %div3A_718, %broadcast_in_dim3A_567 : vector<16xi1>, vector<16xf32>
    %sub3A_720 = arith.subf %broadcast_in_dim3A_567, %select_n3A_719 : vector<16xf32>
    %add3A_721 = arith.addf %add3A_696, %sub3A_720 : vector<16xf32>
    %get3A_722 = arith.constant 1 : i32
    %get3A_723 = arith.index_cast %get3A_722 : i32 to index
    %get3A_724 = arith.constant 16 : index
    %get3A_725 = tpu.vector_load %arg10[%get3A_723, %get3A_724] {strides = array<i32>} : memref<4x128xi32, #tpu.memory_space<vmem>>, vector<16xi32>,
    %get3A_726 = arith.constant 1 : i32
    %get3A_727 = arith.index_cast %get3A_726 : i32 to index
    %get3A_728 = arith.constant 16 : index
    %get3A_729 = tpu.vector_load %arg7[%get3A_727, %get3A_728] {strides = array<i32>} : memref<4x128xi32, #tpu.memory_space<vmem>>, vector<16xi32>,
    %gather3A_730 = tpu.vector_load_idx %arg11[%get3A_725] : memref<1000xf32, #tpu.memory_space<vmem>>[vector<16xi32>], vector<16xf32>,
    %gather3A_731 = tpu.vector_load_idx %arg11[%get3A_729] : memref<1000xf32, #tpu.memory_space<vmem>>[vector<16xi32>], vector<16xf32>,
    %ne3A_732 = arith.cmpf one, %gather3A_731, %broadcast_in_dim3A_569 : vector<16xf32>
    %div3A_733 = arith.divf %gather3A_730, %gather3A_731 : vector<16xf32>
    %select_n3A_734 = arith.select %ne3A_732, %div3A_733, %broadcast_in_dim3A_567 : vector<16xi1>, vector<16xf32>
    %sub3A_735 = arith.subf %broadcast_in_dim3A_567, %select_n3A_734 : vector<16xf32>
    %add3A_736 = arith.addf %add3A_721, %sub3A_735 : vector<16xf32>
    %get3A_737 = arith.constant 1 : i32
    %get3A_738 = arith.index_cast %get3A_737 : i32 to index
    %get3A_739 = arith.constant 32 : index
    %get3A_740 = tpu.vector_load %arg10[%get3A_738, %get3A_739] {strides = array<i32>} : memref<4x128xi32, #tpu.memory_space<vmem>>, vector<16xi32>,
    %get3A_741 = arith.constant 1 : i32
    %get3A_742 = arith.index_cast %get3A_741 : i32 to index
    %get3A_743 = arith.constant 32 : index
    %get3A_744 = tpu.vector_load %arg7[%get3A_742, %get3A_743] {strides = array<i32>} : memref<4x128xi32, #tpu.memory_space<vmem>>, vector<16xi32>,
    %gather3A_745 = tpu.vector_load_idx %arg11[%get3A_740] : memref<1000xf32, #tpu.memory_space<vmem>>[vector<16xi32>], vector<16xf32>,
    %gather3A_746 = tpu.vector_load_idx %arg11[%get3A_744] : memref<1000xf32, #tpu.memory_space<vmem>>[vector<16xi32>], vector<16xf32>,
    %ne3A_747 = arith.cmpf one, %gather3A_746, %broadcast_in_dim3A_569 : vector<16xf32>
    %div3A_748 = arith.divf %gather3A_745, %gather3A_746 : vector<16xf32>
    %select_n3A_749 = arith.select %ne3A_747, %div3A_748, %broadcast_in_dim3A_567 : vector<16xi1>, vector<16xf32>
    %sub3A_750 = arith.subf %broadcast_in_dim3A_567, %select_n3A_749 : vector<16xf32>
    %add3A_751 = arith.addf %add3A_736, %sub3A_750 : vector<16xf32>
    %get3A_752 = arith.constant 1 : i32
    %get3A_753 = arith.index_cast %get3A_752 : i32 to index
    %get3A_754 = arith.constant 48 : index
    %get3A_755 = tpu.vector_load %arg10[%get3A_753, %get3A_754] {strides = array<i32>} : memref<4x128xi32, #tpu.memory_space<vmem>>, vector<16xi32>,
    %get3A_756 = arith.constant 1 : i32
    %get3A_757 = arith.index_cast %get3A_756 : i32 to index
    %get3A_758 = arith.constant 48 : index
    %get3A_759 = tpu.vector_load %arg7[%get3A_757, %get3A_758] {strides = array<i32>} : memref<4x128xi32, #tpu.memory_space<vmem>>, vector<16xi32>,
    %gather3A_760 = tpu.vector_load_idx %arg11[%get3A_755] : memref<1000xf32, #tpu.memory_space<vmem>>[vector<16xi32>], vector<16xf32>,
    %gather3A_761 = tpu.vector_load_idx %arg11[%get3A_759] : memref<1000xf32, #tpu.memory_space<vmem>>[vector<16xi32>], vector<16xf32>,
    %ne3A_762 = arith.cmpf one, %gather3A_761, %broadcast_in_dim3A_569 : vector<16xf32>
    %div3A_763 = arith.divf %gather3A_760, %gather3A_761 : vector<16xf32>
    %select_n3A_764 = arith.select %ne3A_762, %div3A_763, %broadcast_in_dim3A_567 : vector<16xi1>, vector<16xf32>
    %sub3A_765 = arith.subf %broadcast_in_dim3A_567, %select_n3A_764 : vector<16xf32>
    %add3A_766 = arith.addf %add3A_751, %sub3A_765 : vector<16xf32>
    %get3A_767 = arith.constant 1 : i32
    %get3A_768 = arith.index_cast %get3A_767 : i32 to index
    %get3A_769 = arith.constant 64 : index
    %get3A_770 = tpu.vector_load %arg10[%get3A_768, %get3A_769] {strides = array<i32>} : memref<4x128xi32, #tpu.memory_space<vmem>>, vector<16xi32>,
    %get3A_771 = arith.constant 1 : i32
    %get3A_772 = arith.index_cast %get3A_771 : i32 to index
    %get3A_773 = arith.constant 64 : index
    %get3A_774 = tpu.vector_load %arg7[%get3A_772, %get3A_773] {strides = array<i32>} : memref<4x128xi32, #tpu.memory_space<vmem>>, vector<16xi32>,
    %gather3A_775 = tpu.vector_load_idx %arg11[%get3A_770] : memref<1000xf32, #tpu.memory_space<vmem>>[vector<16xi32>], vector<16xf32>,
    %gather3A_776 = tpu.vector_load_idx %arg11[%get3A_774] : memref<1000xf32, #tpu.memory_space<vmem>>[vector<16xi32>], vector<16xf32>,
    %ne3A_777 = arith.cmpf one, %gather3A_776, %broadcast_in_dim3A_569 : vector<16xf32>
    %div3A_778 = arith.divf %gather3A_775, %gather3A_776 : vector<16xf32>
    %select_n3A_779 = arith.select %ne3A_777, %div3A_778, %broadcast_in_dim3A_567 : vector<16xi1>, vector<16xf32>
    %sub3A_780 = arith.subf %broadcast_in_dim3A_567, %select_n3A_779 : vector<16xf32>
    %add3A_781 = arith.addf %add3A_766, %sub3A_780 : vector<16xf32>
    %get3A_782 = arith.constant 1 : i32
    %get3A_783 = arith.index_cast %get3A_782 : i32 to index
    %get3A_784 = arith.constant 80 : index
    %get3A_785 = tpu.vector_load %arg10[%get3A_783, %get3A_784] {strides = array<i32>} : memref<4x128xi32, #tpu.memory_space<vmem>>, vector<16xi32>,
    %get3A_786 = arith.constant 1 : i32
    %get3A_787 = arith.index_cast %get3A_786 : i32 to index
    %get3A_788 = arith.constant 80 : index
    %get3A_789 = tpu.vector_load %arg7[%get3A_787, %get3A_788] {strides = array<i32>} : memref<4x128xi32, #tpu.memory_space<vmem>>, vector<16xi32>,
    %gather3A_790 = tpu.vector_load_idx %arg11[%get3A_785] : memref<1000xf32, #tpu.memory_space<vmem>>[vector<16xi32>], vector<16xf32>,
    %gather3A_791 = tpu.vector_load_idx %arg11[%get3A_789] : memref<1000xf32, #tpu.memory_space<vmem>>[vector<16xi32>], vector<16xf32>,
    %ne3A_792 = arith.cmpf one, %gather3A_791, %broadcast_in_dim3A_569 : vector<16xf32>
    %div3A_793 = arith.divf %gather3A_790, %gather3A_791 : vector<16xf32>
    %select_n3A_794 = arith.select %ne3A_792, %div3A_793, %broadcast_in_dim3A_567 : vector<16xi1>, vector<16xf32>
    %sub3A_795 = arith.subf %broadcast_in_dim3A_567, %select_n3A_794 : vector<16xf32>
    %add3A_796 = arith.addf %add3A_781, %sub3A_795 : vector<16xf32>
    %get3A_797 = arith.constant 1 : i32
    %get3A_798 = arith.index_cast %get3A_797 : i32 to index
    %get3A_799 = arith.constant 96 : index
    %get3A_800 = tpu.vector_load %arg10[%get3A_798, %get3A_799] {strides = array<i32>} : memref<4x128xi32, #tpu.memory_space<vmem>>, vector<16xi32>,
    %get3A_801 = arith.constant 1 : i32
    %get3A_802 = arith.index_cast %get3A_801 : i32 to index
    %get3A_803 = arith.constant 96 : index
    %get3A_804 = tpu.vector_load %arg7[%get3A_802, %get3A_803] {strides = array<i32>} : memref<4x128xi32, #tpu.memory_space<vmem>>, vector<16xi32>,
    %gather3A_805 = tpu.vector_load_idx %arg11[%get3A_800] : memref<1000xf32, #tpu.memory_space<vmem>>[vector<16xi32>], vector<16xf32>,
    %gather3A_806 = tpu.vector_load_idx %arg11[%get3A_804] : memref<1000xf32, #tpu.memory_space<vmem>>[vector<16xi32>], vector<16xf32>,
    %ne3A_807 = arith.cmpf one, %gather3A_806, %broadcast_in_dim3A_569 : vector<16xf32>
    %div3A_808 = arith.divf %gather3A_805, %gather3A_806 : vector<16xf32>
    %select_n3A_809 = arith.select %ne3A_807, %div3A_808, %broadcast_in_dim3A_567 : vector<16xi1>, vector<16xf32>
    %sub3A_810 = arith.subf %broadcast_in_dim3A_567, %select_n3A_809 : vector<16xf32>
    %add3A_811 = arith.addf %add3A_796, %sub3A_810 : vector<16xf32>
    %get3A_812 = arith.constant 1 : i32
    %get3A_813 = arith.index_cast %get3A_812 : i32 to index
    %get3A_814 = arith.constant 112 : index
    %get3A_815 = tpu.vector_load %arg10[%get3A_813, %get3A_814] {strides = array<i32>} : memref<4x128xi32, #tpu.memory_space<vmem>>, vector<16xi32>,
    %get3A_816 = arith.constant 1 : i32
    %get3A_817 = arith.index_cast %get3A_816 : i32 to index
    %get3A_818 = arith.constant 112 : index
    %get3A_819 = tpu.vector_load %arg7[%get3A_817, %get3A_818] {strides = array<i32>} : memref<4x128xi32, #tpu.memory_space<vmem>>, vector<16xi32>,
    %gather3A_820 = tpu.vector_load_idx %arg11[%get3A_815] : memref<1000xf32, #tpu.memory_space<vmem>>[vector<16xi32>], vector<16xf32>,
    %gather3A_821 = tpu.vector_load_idx %arg11[%get3A_819] : memref<1000xf32, #tpu.memory_space<vmem>>[vector<16xi32>], vector<16xf32>,
    %ne3A_822 = arith.cmpf one, %gather3A_821, %broadcast_in_dim3A_569 : vector<16xf32>
    %div3A_823 = arith.divf %gather3A_820, %gather3A_821 : vector<16xf32>
    %select_n3A_824 = arith.select %ne3A_822, %div3A_823, %broadcast_in_dim3A_567 : vector<16xi1>, vector<16xf32>
    %sub3A_825 = arith.subf %broadcast_in_dim3A_567, %select_n3A_824 : vector<16xf32>
    %add3A_826 = arith.addf %add3A_811, %sub3A_825 : vector<16xf32>
    %dma_wait3A_827 = arith.constant 2 : i32
    %dma_wait3A_828 = arith.constant 2 : i32
    %dma_wait3A_829 = arith.constant 0 : i32
    %dma_wait3A_830 = tpu.memref_slice %arg10[%dma_wait3A_828, %dma_wait3A_829] : memref<4x128xi32, #tpu.memory_space<vmem>> -> memref<1x128xi32, #tpu.memory_space<vmem>>
    %dma_wait3A_831 = tpu.memref_squeeze %dma_wait3A_830 : memref<1x128xi32, #tpu.memory_space<vmem>> -> memref<128xi32, #tpu.memory_space<vmem>>
    %dma_wait3A_832 = arith.constant 0 : i32
    %dma_wait3A_833 = tpu.memref_slice %arg9[%dma_wait3A_827, %dma_wait3A_832] : memref<4x128xi32, #tpu.memory_space<vmem>> -> memref<1x128xi32, #tpu.memory_space<vmem>>
    %dma_wait3A_834 = tpu.memref_squeeze %dma_wait3A_833 : memref<1x128xi32, #tpu.memory_space<vmem>> -> memref<128xi32, #tpu.memory_space<vmem>>
    %dma_wait3A_835 = arith.constant 0 : i32
    %dma_wait3A_836 = tpu.memref_slice %arg4[%dma_wait3A_835] : memref<1000000xi32, #tpu.memory_space<hbm>> -> memref<1000000xi32, #tpu.memory_space<hbm>>
    tpu.wait_indirect_dma semaphore(%arg17 : memref<!tpu.dma_semaphore, #tpu.memory_space<semaphore_mem>>) src(%dma_wait3A_836 : memref<1000000xi32, #tpu.memory_space<hbm>>) dst(%dma_wait3A_831 : memref<128xi32, #tpu.memory_space<vmem>>)
    %get3A_837 = arith.constant 2 : i32
    %get3A_838 = arith.index_cast %get3A_837 : i32 to index
    %get3A_839 = arith.constant 0 : index
    %get3A_840 = tpu.vector_load %arg10[%get3A_838, %get3A_839] {strides = array<i32>} : memref<4x128xi32, #tpu.memory_space<vmem>>, vector<16xi32>,
    %get3A_841 = arith.constant 2 : i32
    %get3A_842 = arith.index_cast %get3A_841 : i32 to index
    %get3A_843 = arith.constant 0 : index
    %get3A_844 = tpu.vector_load %arg7[%get3A_842, %get3A_843] {strides = array<i32>} : memref<4x128xi32, #tpu.memory_space<vmem>>, vector<16xi32>,
    %gather3A_845 = tpu.vector_load_idx %arg11[%get3A_840] : memref<1000xf32, #tpu.memory_space<vmem>>[vector<16xi32>], vector<16xf32>,
    %gather3A_846 = tpu.vector_load_idx %arg11[%get3A_844] : memref<1000xf32, #tpu.memory_space<vmem>>[vector<16xi32>], vector<16xf32>,
    %ne3A_847 = arith.cmpf one, %gather3A_846, %broadcast_in_dim3A_569 : vector<16xf32>
    %div3A_848 = arith.divf %gather3A_845, %gather3A_846 : vector<16xf32>
    %select_n3A_849 = arith.select %ne3A_847, %div3A_848, %broadcast_in_dim3A_567 : vector<16xi1>, vector<16xf32>
    %sub3A_850 = arith.subf %broadcast_in_dim3A_567, %select_n3A_849 : vector<16xf32>
    %add3A_851 = arith.addf %add3A_826, %sub3A_850 : vector<16xf32>
    %get3A_852 = arith.constant 2 : i32
    %get3A_853 = arith.index_cast %get3A_852 : i32 to index
    %get3A_854 = arith.constant 16 : index
    %get3A_855 = tpu.vector_load %arg10[%get3A_853, %get3A_854] {strides = array<i32>} : memref<4x128xi32, #tpu.memory_space<vmem>>, vector<16xi32>,
    %get3A_856 = arith.constant 2 : i32
    %get3A_857 = arith.index_cast %get3A_856 : i32 to index
    %get3A_858 = arith.constant 16 : index
    %get3A_859 = tpu.vector_load %arg7[%get3A_857, %get3A_858] {strides = array<i32>} : memref<4x128xi32, #tpu.memory_space<vmem>>, vector<16xi32>,
    %gather3A_860 = tpu.vector_load_idx %arg11[%get3A_855] : memref<1000xf32, #tpu.memory_space<vmem>>[vector<16xi32>], vector<16xf32>,
    %gather3A_861 = tpu.vector_load_idx %arg11[%get3A_859] : memref<1000xf32, #tpu.memory_space<vmem>>[vector<16xi32>], vector<16xf32>,
    %ne3A_862 = arith.cmpf one, %gather3A_861, %broadcast_in_dim3A_569 : vector<16xf32>
    %div3A_863 = arith.divf %gather3A_860, %gather3A_861 : vector<16xf32>
    %select_n3A_864 = arith.select %ne3A_862, %div3A_863, %broadcast_in_dim3A_567 : vector<16xi1>, vector<16xf32>
    %sub3A_865 = arith.subf %broadcast_in_dim3A_567, %select_n3A_864 : vector<16xf32>
    %add3A_866 = arith.addf %add3A_851, %sub3A_865 : vector<16xf32>
    %get3A_867 = arith.constant 2 : i32
    %get3A_868 = arith.index_cast %get3A_867 : i32 to index
    %get3A_869 = arith.constant 32 : index
    %get3A_870 = tpu.vector_load %arg10[%get3A_868, %get3A_869] {strides = array<i32>} : memref<4x128xi32, #tpu.memory_space<vmem>>, vector<16xi32>,
    %get3A_871 = arith.constant 2 : i32
    %get3A_872 = arith.index_cast %get3A_871 : i32 to index
    %get3A_873 = arith.constant 32 : index
    %get3A_874 = tpu.vector_load %arg7[%get3A_872, %get3A_873] {strides = array<i32>} : memref<4x128xi32, #tpu.memory_space<vmem>>, vector<16xi32>,
    %gather3A_875 = tpu.vector_load_idx %arg11[%get3A_870] : memref<1000xf32, #tpu.memory_space<vmem>>[vector<16xi32>], vector<16xf32>,
    %gather3A_876 = tpu.vector_load_idx %arg11[%get3A_874] : memref<1000xf32, #tpu.memory_space<vmem>>[vector<16xi32>], vector<16xf32>,
    %ne3A_877 = arith.cmpf one, %gather3A_876, %broadcast_in_dim3A_569 : vector<16xf32>
    %div3A_878 = arith.divf %gather3A_875, %gather3A_876 : vector<16xf32>
    %select_n3A_879 = arith.select %ne3A_877, %div3A_878, %broadcast_in_dim3A_567 : vector<16xi1>, vector<16xf32>
    %sub3A_880 = arith.subf %broadcast_in_dim3A_567, %select_n3A_879 : vector<16xf32>
    %add3A_881 = arith.addf %add3A_866, %sub3A_880 : vector<16xf32>
    %get3A_882 = arith.constant 2 : i32
    %get3A_883 = arith.index_cast %get3A_882 : i32 to index
    %get3A_884 = arith.constant 48 : index
    %get3A_885 = tpu.vector_load %arg10[%get3A_883, %get3A_884] {strides = array<i32>} : memref<4x128xi32, #tpu.memory_space<vmem>>, vector<16xi32>,
    %get3A_886 = arith.constant 2 : i32
    %get3A_887 = arith.index_cast %get3A_886 : i32 to index
    %get3A_888 = arith.constant 48 : index
    %get3A_889 = tpu.vector_load %arg7[%get3A_887, %get3A_888] {strides = array<i32>} : memref<4x128xi32, #tpu.memory_space<vmem>>, vector<16xi32>,
    %gather3A_890 = tpu.vector_load_idx %arg11[%get3A_885] : memref<1000xf32, #tpu.memory_space<vmem>>[vector<16xi32>], vector<16xf32>,
    %gather3A_891 = tpu.vector_load_idx %arg11[%get3A_889] : memref<1000xf32, #tpu.memory_space<vmem>>[vector<16xi32>], vector<16xf32>,
    %ne3A_892 = arith.cmpf one, %gather3A_891, %broadcast_in_dim3A_569 : vector<16xf32>
    %div3A_893 = arith.divf %gather3A_890, %gather3A_891 : vector<16xf32>
    %select_n3A_894 = arith.select %ne3A_892, %div3A_893, %broadcast_in_dim3A_567 : vector<16xi1>, vector<16xf32>
    %sub3A_895 = arith.subf %broadcast_in_dim3A_567, %select_n3A_894 : vector<16xf32>
    %add3A_896 = arith.addf %add3A_881, %sub3A_895 : vector<16xf32>
    %get3A_897 = arith.constant 2 : i32
    %get3A_898 = arith.index_cast %get3A_897 : i32 to index
    %get3A_899 = arith.constant 64 : index
    %get3A_900 = tpu.vector_load %arg10[%get3A_898, %get3A_899] {strides = array<i32>} : memref<4x128xi32, #tpu.memory_space<vmem>>, vector<16xi32>,
    %get3A_901 = arith.constant 2 : i32
    %get3A_902 = arith.index_cast %get3A_901 : i32 to index
    %get3A_903 = arith.constant 64 : index
    %get3A_904 = tpu.vector_load %arg7[%get3A_902, %get3A_903] {strides = array<i32>} : memref<4x128xi32, #tpu.memory_space<vmem>>, vector<16xi32>,
    %gather3A_905 = tpu.vector_load_idx %arg11[%get3A_900] : memref<1000xf32, #tpu.memory_space<vmem>>[vector<16xi32>], vector<16xf32>,
    %gather3A_906 = tpu.vector_load_idx %arg11[%get3A_904] : memref<1000xf32, #tpu.memory_space<vmem>>[vector<16xi32>], vector<16xf32>,
    %ne3A_907 = arith.cmpf one, %gather3A_906, %broadcast_in_dim3A_569 : vector<16xf32>
    %div3A_908 = arith.divf %gather3A_905, %gather3A_906 : vector<16xf32>
    %select_n3A_909 = arith.select %ne3A_907, %div3A_908, %broadcast_in_dim3A_567 : vector<16xi1>, vector<16xf32>
    %sub3A_910 = arith.subf %broadcast_in_dim3A_567, %select_n3A_909 : vector<16xf32>
    %add3A_911 = arith.addf %add3A_896, %sub3A_910 : vector<16xf32>
    %get3A_912 = arith.constant 2 : i32
    %get3A_913 = arith.index_cast %get3A_912 : i32 to index
    %get3A_914 = arith.constant 80 : index
    %get3A_915 = tpu.vector_load %arg10[%get3A_913, %get3A_914] {strides = array<i32>} : memref<4x128xi32, #tpu.memory_space<vmem>>, vector<16xi32>,
    %get3A_916 = arith.constant 2 : i32
    %get3A_917 = arith.index_cast %get3A_916 : i32 to index
    %get3A_918 = arith.constant 80 : index
    %get3A_919 = tpu.vector_load %arg7[%get3A_917, %get3A_918] {strides = array<i32>} : memref<4x128xi32, #tpu.memory_space<vmem>>, vector<16xi32>,
    %gather3A_920 = tpu.vector_load_idx %arg11[%get3A_915] : memref<1000xf32, #tpu.memory_space<vmem>>[vector<16xi32>], vector<16xf32>,
    %gather3A_921 = tpu.vector_load_idx %arg11[%get3A_919] : memref<1000xf32, #tpu.memory_space<vmem>>[vector<16xi32>], vector<16xf32>,
    %ne3A_922 = arith.cmpf one, %gather3A_921, %broadcast_in_dim3A_569 : vector<16xf32>
    %div3A_923 = arith.divf %gather3A_920, %gather3A_921 : vector<16xf32>
    %select_n3A_924 = arith.select %ne3A_922, %div3A_923, %broadcast_in_dim3A_567 : vector<16xi1>, vector<16xf32>
    %sub3A_925 = arith.subf %broadcast_in_dim3A_567, %select_n3A_924 : vector<16xf32>
    %add3A_926 = arith.addf %add3A_911, %sub3A_925 : vector<16xf32>
    %get3A_927 = arith.constant 2 : i32
    %get3A_928 = arith.index_cast %get3A_927 : i32 to index
    %get3A_929 = arith.constant 96 : index
    %get3A_930 = tpu.vector_load %arg10[%get3A_928, %get3A_929] {strides = array<i32>} : memref<4x128xi32, #tpu.memory_space<vmem>>, vector<16xi32>,
    %get3A_931 = arith.constant 2 : i32
    %get3A_932 = arith.index_cast %get3A_931 : i32 to index
    %get3A_933 = arith.constant 96 : index
    %get3A_934 = tpu.vector_load %arg7[%get3A_932, %get3A_933] {strides = array<i32>} : memref<4x128xi32, #tpu.memory_space<vmem>>, vector<16xi32>,
    %gather3A_935 = tpu.vector_load_idx %arg11[%get3A_930] : memref<1000xf32, #tpu.memory_space<vmem>>[vector<16xi32>], vector<16xf32>,
    %gather3A_936 = tpu.vector_load_idx %arg11[%get3A_934] : memref<1000xf32, #tpu.memory_space<vmem>>[vector<16xi32>], vector<16xf32>,
    %ne3A_937 = arith.cmpf one, %gather3A_936, %broadcast_in_dim3A_569 : vector<16xf32>
    %div3A_938 = arith.divf %gather3A_935, %gather3A_936 : vector<16xf32>
    %select_n3A_939 = arith.select %ne3A_937, %div3A_938, %broadcast_in_dim3A_567 : vector<16xi1>, vector<16xf32>
    %sub3A_940 = arith.subf %broadcast_in_dim3A_567, %select_n3A_939 : vector<16xf32>
    %add3A_941 = arith.addf %add3A_926, %sub3A_940 : vector<16xf32>
    %get3A_942 = arith.constant 2 : i32
    %get3A_943 = arith.index_cast %get3A_942 : i32 to index
    %get3A_944 = arith.constant 112 : index
    %get3A_945 = tpu.vector_load %arg10[%get3A_943, %get3A_944] {strides = array<i32>} : memref<4x128xi32, #tpu.memory_space<vmem>>, vector<16xi32>,
    %get3A_946 = arith.constant 2 : i32
    %get3A_947 = arith.index_cast %get3A_946 : i32 to index
    %get3A_948 = arith.constant 112 : index
    %get3A_949 = tpu.vector_load %arg7[%get3A_947, %get3A_948] {strides = array<i32>} : memref<4x128xi32, #tpu.memory_space<vmem>>, vector<16xi32>,
    %gather3A_950 = tpu.vector_load_idx %arg11[%get3A_945] : memref<1000xf32, #tpu.memory_space<vmem>>[vector<16xi32>], vector<16xf32>,
    %gather3A_951 = tpu.vector_load_idx %arg11[%get3A_949] : memref<1000xf32, #tpu.memory_space<vmem>>[vector<16xi32>], vector<16xf32>,
    %ne3A_952 = arith.cmpf one, %gather3A_951, %broadcast_in_dim3A_569 : vector<16xf32>
    %div3A_953 = arith.divf %gather3A_950, %gather3A_951 : vector<16xf32>
    %select_n3A_954 = arith.select %ne3A_952, %div3A_953, %broadcast_in_dim3A_567 : vector<16xi1>, vector<16xf32>
    %sub3A_955 = arith.subf %broadcast_in_dim3A_567, %select_n3A_954 : vector<16xf32>
    %add3A_956 = arith.addf %add3A_941, %sub3A_955 : vector<16xf32>
    %dma_wait3A_957 = arith.constant 3 : i32
    %dma_wait3A_958 = arith.constant 3 : i32
    %dma_wait3A_959 = arith.constant 0 : i32
    %dma_wait3A_960 = tpu.memref_slice %arg10[%dma_wait3A_958, %dma_wait3A_959] : memref<4x128xi32, #tpu.memory_space<vmem>> -> memref<1x128xi32, #tpu.memory_space<vmem>>
    %dma_wait3A_961 = tpu.memref_squeeze %dma_wait3A_960 : memref<1x128xi32, #tpu.memory_space<vmem>> -> memref<128xi32, #tpu.memory_space<vmem>>
    %dma_wait3A_962 = arith.constant 0 : i32
    %dma_wait3A_963 = tpu.memref_slice %arg9[%dma_wait3A_957, %dma_wait3A_962] : memref<4x128xi32, #tpu.memory_space<vmem>> -> memref<1x128xi32, #tpu.memory_space<vmem>>
    %dma_wait3A_964 = tpu.memref_squeeze %dma_wait3A_963 : memref<1x128xi32, #tpu.memory_space<vmem>> -> memref<128xi32, #tpu.memory_space<vmem>>
    %dma_wait3A_965 = arith.constant 0 : i32
    %dma_wait3A_966 = tpu.memref_slice %arg4[%dma_wait3A_965] : memref<1000000xi32, #tpu.memory_space<hbm>> -> memref<1000000xi32, #tpu.memory_space<hbm>>
    tpu.wait_indirect_dma semaphore(%arg18 : memref<!tpu.dma_semaphore, #tpu.memory_space<semaphore_mem>>) src(%dma_wait3A_966 : memref<1000000xi32, #tpu.memory_space<hbm>>) dst(%dma_wait3A_961 : memref<128xi32, #tpu.memory_space<vmem>>)
    %get3A_967 = arith.constant 3 : i32
    %get3A_968 = arith.index_cast %get3A_967 : i32 to index
    %get3A_969 = arith.constant 0 : index
    %get3A_970 = tpu.vector_load %arg10[%get3A_968, %get3A_969] {strides = array<i32>} : memref<4x128xi32, #tpu.memory_space<vmem>>, vector<16xi32>,
    %get3A_971 = arith.constant 3 : i32
    %get3A_972 = arith.index_cast %get3A_971 : i32 to index
    %get3A_973 = arith.constant 0 : index
    %get3A_974 = tpu.vector_load %arg7[%get3A_972, %get3A_973] {strides = array<i32>} : memref<4x128xi32, #tpu.memory_space<vmem>>, vector<16xi32>,
    %gather3A_975 = tpu.vector_load_idx %arg11[%get3A_970] : memref<1000xf32, #tpu.memory_space<vmem>>[vector<16xi32>], vector<16xf32>,
    %gather3A_976 = tpu.vector_load_idx %arg11[%get3A_974] : memref<1000xf32, #tpu.memory_space<vmem>>[vector<16xi32>], vector<16xf32>,
    %ne3A_977 = arith.cmpf one, %gather3A_976, %broadcast_in_dim3A_569 : vector<16xf32>
    %div3A_978 = arith.divf %gather3A_975, %gather3A_976 : vector<16xf32>
    %select_n3A_979 = arith.select %ne3A_977, %div3A_978, %broadcast_in_dim3A_567 : vector<16xi1>, vector<16xf32>
    %sub3A_980 = arith.subf %broadcast_in_dim3A_567, %select_n3A_979 : vector<16xf32>
    %add3A_981 = arith.addf %add3A_956, %sub3A_980 : vector<16xf32>
    %get3A_982 = arith.constant 3 : i32
    %get3A_983 = arith.index_cast %get3A_982 : i32 to index
    %get3A_984 = arith.constant 16 : index
    %get3A_985 = tpu.vector_load %arg10[%get3A_983, %get3A_984] {strides = array<i32>} : memref<4x128xi32, #tpu.memory_space<vmem>>, vector<16xi32>,
    %get3A_986 = arith.constant 3 : i32
    %get3A_987 = arith.index_cast %get3A_986 : i32 to index
    %get3A_988 = arith.constant 16 : index
    %get3A_989 = tpu.vector_load %arg7[%get3A_987, %get3A_988] {strides = array<i32>} : memref<4x128xi32, #tpu.memory_space<vmem>>, vector<16xi32>,
    %gather3A_990 = tpu.vector_load_idx %arg11[%get3A_985] : memref<1000xf32, #tpu.memory_space<vmem>>[vector<16xi32>], vector<16xf32>,
    %gather3A_991 = tpu.vector_load_idx %arg11[%get3A_989] : memref<1000xf32, #tpu.memory_space<vmem>>[vector<16xi32>], vector<16xf32>,
    %ne3A_992 = arith.cmpf one, %gather3A_991, %broadcast_in_dim3A_569 : vector<16xf32>
    %div3A_993 = arith.divf %gather3A_990, %gather3A_991 : vector<16xf32>
    %select_n3A_994 = arith.select %ne3A_992, %div3A_993, %broadcast_in_dim3A_567 : vector<16xi1>, vector<16xf32>
    %sub3A_995 = arith.subf %broadcast_in_dim3A_567, %select_n3A_994 : vector<16xf32>
    %add3A_996 = arith.addf %add3A_981, %sub3A_995 : vector<16xf32>
    %get3A_997 = arith.constant 3 : i32
    %get3A_998 = arith.index_cast %get3A_997 : i32 to index
    %get3A_999 = arith.constant 32 : index
    %get3A_1000 = tpu.vector_load %arg10[%get3A_998, %get3A_999] {strides = array<i32>} : memref<4x128xi32, #tpu.memory_space<vmem>>, vector<16xi32>,
    %get3A_1001 = arith.constant 3 : i32
    %get3A_1002 = arith.index_cast %get3A_1001 : i32 to index
    %get3A_1003 = arith.constant 32 : index
    %get3A_1004 = tpu.vector_load %arg7[%get3A_1002, %get3A_1003] {strides = array<i32>} : memref<4x128xi32, #tpu.memory_space<vmem>>, vector<16xi32>,
    %gather3A_1005 = tpu.vector_load_idx %arg11[%get3A_1000] : memref<1000xf32, #tpu.memory_space<vmem>>[vector<16xi32>], vector<16xf32>,
    %gather3A_1006 = tpu.vector_load_idx %arg11[%get3A_1004] : memref<1000xf32, #tpu.memory_space<vmem>>[vector<16xi32>], vector<16xf32>,
    %ne3A_1007 = arith.cmpf one, %gather3A_1006, %broadcast_in_dim3A_569 : vector<16xf32>
    %div3A_1008 = arith.divf %gather3A_1005, %gather3A_1006 : vector<16xf32>
    %select_n3A_1009 = arith.select %ne3A_1007, %div3A_1008, %broadcast_in_dim3A_567 : vector<16xi1>, vector<16xf32>
    %sub3A_1010 = arith.subf %broadcast_in_dim3A_567, %select_n3A_1009 : vector<16xf32>
    %add3A_1011 = arith.addf %add3A_996, %sub3A_1010 : vector<16xf32>
    %get3A_1012 = arith.constant 3 : i32
    %get3A_1013 = arith.index_cast %get3A_1012 : i32 to index
    %get3A_1014 = arith.constant 48 : index
    %get3A_1015 = tpu.vector_load %arg10[%get3A_1013, %get3A_1014] {strides = array<i32>} : memref<4x128xi32, #tpu.memory_space<vmem>>, vector<16xi32>,
    %get3A_1016 = arith.constant 3 : i32
    %get3A_1017 = arith.index_cast %get3A_1016 : i32 to index
    %get3A_1018 = arith.constant 48 : index
    %get3A_1019 = tpu.vector_load %arg7[%get3A_1017, %get3A_1018] {strides = array<i32>} : memref<4x128xi32, #tpu.memory_space<vmem>>, vector<16xi32>,
    %gather3A_1020 = tpu.vector_load_idx %arg11[%get3A_1015] : memref<1000xf32, #tpu.memory_space<vmem>>[vector<16xi32>], vector<16xf32>,
    %gather3A_1021 = tpu.vector_load_idx %arg11[%get3A_1019] : memref<1000xf32, #tpu.memory_space<vmem>>[vector<16xi32>], vector<16xf32>,
    %ne3A_1022 = arith.cmpf one, %gather3A_1021, %broadcast_in_dim3A_569 : vector<16xf32>
    %div3A_1023 = arith.divf %gather3A_1020, %gather3A_1021 : vector<16xf32>
    %select_n3A_1024 = arith.select %ne3A_1022, %div3A_1023, %broadcast_in_dim3A_567 : vector<16xi1>, vector<16xf32>
    %sub3A_1025 = arith.subf %broadcast_in_dim3A_567, %select_n3A_1024 : vector<16xf32>
    %add3A_1026 = arith.addf %add3A_1011, %sub3A_1025 : vector<16xf32>
    %get3A_1027 = arith.constant 3 : i32
    %get3A_1028 = arith.index_cast %get3A_1027 : i32 to index
    %get3A_1029 = arith.constant 64 : index
    %get3A_1030 = tpu.vector_load %arg10[%get3A_1028, %get3A_1029] {strides = array<i32>} : memref<4x128xi32, #tpu.memory_space<vmem>>, vector<16xi32>,
    %get3A_1031 = arith.constant 3 : i32
    %get3A_1032 = arith.index_cast %get3A_1031 : i32 to index
    %get3A_1033 = arith.constant 64 : index
    %get3A_1034 = tpu.vector_load %arg7[%get3A_1032, %get3A_1033] {strides = array<i32>} : memref<4x128xi32, #tpu.memory_space<vmem>>, vector<16xi32>,
    %gather3A_1035 = tpu.vector_load_idx %arg11[%get3A_1030] : memref<1000xf32, #tpu.memory_space<vmem>>[vector<16xi32>], vector<16xf32>,
    %gather3A_1036 = tpu.vector_load_idx %arg11[%get3A_1034] : memref<1000xf32, #tpu.memory_space<vmem>>[vector<16xi32>], vector<16xf32>,
    %ne3A_1037 = arith.cmpf one, %gather3A_1036, %broadcast_in_dim3A_569 : vector<16xf32>
    %div3A_1038 = arith.divf %gather3A_1035, %gather3A_1036 : vector<16xf32>
    %select_n3A_1039 = arith.select %ne3A_1037, %div3A_1038, %broadcast_in_dim3A_567 : vector<16xi1>, vector<16xf32>
    %sub3A_1040 = arith.subf %broadcast_in_dim3A_567, %select_n3A_1039 : vector<16xf32>
    %add3A_1041 = arith.addf %add3A_1026, %sub3A_1040 : vector<16xf32>
    %get3A_1042 = arith.constant 3 : i32
    %get3A_1043 = arith.index_cast %get3A_1042 : i32 to index
    %get3A_1044 = arith.constant 80 : index
    %get3A_1045 = tpu.vector_load %arg10[%get3A_1043, %get3A_1044] {strides = array<i32>} : memref<4x128xi32, #tpu.memory_space<vmem>>, vector<16xi32>,
    %get3A_1046 = arith.constant 3 : i32
    %get3A_1047 = arith.index_cast %get3A_1046 : i32 to index
    %get3A_1048 = arith.constant 80 : index
    %get3A_1049 = tpu.vector_load %arg7[%get3A_1047, %get3A_1048] {strides = array<i32>} : memref<4x128xi32, #tpu.memory_space<vmem>>, vector<16xi32>,
    %gather3A_1050 = tpu.vector_load_idx %arg11[%get3A_1045] : memref<1000xf32, #tpu.memory_space<vmem>>[vector<16xi32>], vector<16xf32>,
    %gather3A_1051 = tpu.vector_load_idx %arg11[%get3A_1049] : memref<1000xf32, #tpu.memory_space<vmem>>[vector<16xi32>], vector<16xf32>,
    %ne3A_1052 = arith.cmpf one, %gather3A_1051, %broadcast_in_dim3A_569 : vector<16xf32>
    %div3A_1053 = arith.divf %gather3A_1050, %gather3A_1051 : vector<16xf32>
    %select_n3A_1054 = arith.select %ne3A_1052, %div3A_1053, %broadcast_in_dim3A_567 : vector<16xi1>, vector<16xf32>
    %sub3A_1055 = arith.subf %broadcast_in_dim3A_567, %select_n3A_1054 : vector<16xf32>
    %add3A_1056 = arith.addf %add3A_1041, %sub3A_1055 : vector<16xf32>
    %get3A_1057 = arith.constant 3 : i32
    %get3A_1058 = arith.index_cast %get3A_1057 : i32 to index
    %get3A_1059 = arith.constant 96 : index
    %get3A_1060 = tpu.vector_load %arg10[%get3A_1058, %get3A_1059] {strides = array<i32>} : memref<4x128xi32, #tpu.memory_space<vmem>>, vector<16xi32>,
    %get3A_1061 = arith.constant 3 : i32
    %get3A_1062 = arith.index_cast %get3A_1061 : i32 to index
    %get3A_1063 = arith.constant 96 : index
    %get3A_1064 = tpu.vector_load %arg7[%get3A_1062, %get3A_1063] {strides = array<i32>} : memref<4x128xi32, #tpu.memory_space<vmem>>, vector<16xi32>,
    %gather3A_1065 = tpu.vector_load_idx %arg11[%get3A_1060] : memref<1000xf32, #tpu.memory_space<vmem>>[vector<16xi32>], vector<16xf32>,
    %gather3A_1066 = tpu.vector_load_idx %arg11[%get3A_1064] : memref<1000xf32, #tpu.memory_space<vmem>>[vector<16xi32>], vector<16xf32>,
    %ne3A_1067 = arith.cmpf one, %gather3A_1066, %broadcast_in_dim3A_569 : vector<16xf32>
    %div3A_1068 = arith.divf %gather3A_1065, %gather3A_1066 : vector<16xf32>
    %select_n3A_1069 = arith.select %ne3A_1067, %div3A_1068, %broadcast_in_dim3A_567 : vector<16xi1>, vector<16xf32>
    %sub3A_1070 = arith.subf %broadcast_in_dim3A_567, %select_n3A_1069 : vector<16xf32>
    %add3A_1071 = arith.addf %add3A_1056, %sub3A_1070 : vector<16xf32>
    %get3A_1072 = arith.constant 3 : i32
    %get3A_1073 = arith.index_cast %get3A_1072 : i32 to index
    %get3A_1074 = arith.constant 112 : index
    %get3A_1075 = tpu.vector_load %arg10[%get3A_1073, %get3A_1074] {strides = array<i32>} : memref<4x128xi32, #tpu.memory_space<vmem>>, vector<16xi32>,
    %get3A_1076 = arith.constant 3 : i32
    %get3A_1077 = arith.index_cast %get3A_1076 : i32 to index
    %get3A_1078 = arith.constant 112 : index
    %get3A_1079 = tpu.vector_load %arg7[%get3A_1077, %get3A_1078] {strides = array<i32>} : memref<4x128xi32, #tpu.memory_space<vmem>>, vector<16xi32>,
    %gather3A_1080 = tpu.vector_load_idx %arg11[%get3A_1075] : memref<1000xf32, #tpu.memory_space<vmem>>[vector<16xi32>], vector<16xf32>,
    %gather3A_1081 = tpu.vector_load_idx %arg11[%get3A_1079] : memref<1000xf32, #tpu.memory_space<vmem>>[vector<16xi32>], vector<16xf32>,
    %ne3A_1082 = arith.cmpf one, %gather3A_1081, %broadcast_in_dim3A_569 : vector<16xf32>
    %div3A_1083 = arith.divf %gather3A_1080, %gather3A_1081 : vector<16xf32>
    %select_n3A_1084 = arith.select %ne3A_1082, %div3A_1083, %broadcast_in_dim3A_567 : vector<16xi1>, vector<16xf32>
    %sub3A_1085 = arith.subf %broadcast_in_dim3A_567, %select_n3A_1084 : vector<16xf32>
    %add3A_1086 = arith.addf %add3A_1071, %sub3A_1085 : vector<16xf32>
    %reduce_sum3A = arith.constant true
    %reduce_sum3A_1087 = vector.broadcast %reduce_sum3A : i1 to vector<16xi1>
    %reduce_sum3A_1088 = tpu.scan <sum>, %add3A_1086 masked %reduce_sum3A_1087 : vector<16xf32>, vector<16xi1> -> vector<16xf32>
    %reduce_sum3A_1089 = vector.extract %reduce_sum3A_1088[15] : f32 from vector<16xf32>
    %broadcast_in_dim3A_1090 = vector.broadcast %reduce_sum3A_1089 : f32 to vector<16xf32>
    %swap3A_1091 = arith.constant 0 : index
    %swap3A_1092 = tpu.vector_load %arg12[%swap3A_1091] {strides = array<i32>} : memref<16xf32, #tpu.memory_space<vmem>>, vector<16xf32>,
    tpu.vector_store %arg12[%swap3A_1091], %broadcast_in_dim3A_1090 {strides = array<i32>} : memref<16xf32, #tpu.memory_space<vmem>>, vector<16xf32>,
    "tpu.region"() ({
      %run_scoped3A = tpu.sem_alloc : memref<!tpu.dma_semaphore, #tpu.memory_space<semaphore_mem>>
      %dma_start3A_1093 = arith.constant 0 : i32
      %dma_start3A_1094 = tpu.memref_slice %arg6[%add3A, %dma_start3A_1093] : memref<32x16xf32, #tpu.memory_space<hbm>> -> memref<1x16xf32, #tpu.memory_space<hbm>>
      %dma_start3A_1095 = tpu.memref_squeeze %dma_start3A_1094 : memref<1x16xf32, #tpu.memory_space<hbm>> -> memref<16xf32, #tpu.memory_space<hbm>>
      %dma_start3A_1096 = arith.constant 0 : i32
      %dma_start3A_1097 = tpu.memref_slice %arg6[%add3A, %dma_start3A_1096] : memref<32x16xf32, #tpu.memory_space<hbm>> -> memref<1x16xf32, #tpu.memory_space<hbm>>
      %dma_start3A_1098 = tpu.memref_squeeze %dma_start3A_1097 : memref<1x16xf32, #tpu.memory_space<hbm>> -> memref<16xf32, #tpu.memory_space<hbm>>
      tpu.enqueue_dma source(%arg12 : memref<16xf32, #tpu.memory_space<vmem>>) target(%dma_start3A_1098 : memref<16xf32, #tpu.memory_space<hbm>>) target_semaphore(%run_scoped3A : memref<!tpu.dma_semaphore, #tpu.memory_space<semaphore_mem>>)
      %dma_wait3A_1099 = arith.constant 0 : i32
      %dma_wait3A_1100 = tpu.memref_slice %arg6[%add3A, %dma_wait3A_1099] : memref<32x16xf32, #tpu.memory_space<hbm>> -> memref<1x16xf32, #tpu.memory_space<hbm>>
      %dma_wait3A_1101 = tpu.memref_squeeze %dma_wait3A_1100 : memref<1x16xf32, #tpu.memory_space<hbm>> -> memref<16xf32, #tpu.memory_space<hbm>>
      %dma_wait3A_1102 = arith.constant 0 : i32
      %dma_wait3A_1103 = tpu.memref_slice %arg6[%add3A, %dma_wait3A_1102] : memref<32x16xf32, #tpu.memory_space<hbm>> -> memref<1x16xf32, #tpu.memory_space<hbm>>
      %dma_wait3A_1104 = tpu.memref_squeeze %dma_wait3A_1103 : memref<1x16xf32, #tpu.memory_space<hbm>> -> memref<16xf32, #tpu.memory_space<hbm>>
      tpu.wait_dma2 semaphore(%run_scoped3A : memref<!tpu.dma_semaphore, #tpu.memory_space<semaphore_mem>>) src(%arg12 : memref<16xf32, #tpu.memory_space<vmem>>) dst(%dma_wait3A_1104 : memref<16xf32, #tpu.memory_space<hbm>>)
      tpu.yield
    }) : () -> ()
    return
  }
}

</mosaic_0001>

<sc_bundles>
// kernel: kernel.3.cloned.1.call-start
scs
__scs_entry_jumppad:
0x0: {  	(pc) =	sbr.rel $0x88, $3  }
0x1: {  	(tag) =	ssettag $0x0;
	lr =	simm.s32 $0x1  }
0x2: {  	[smem:$0x3F9D] =	sst lr;
	_ =	strace $0xD0000000  }
0x3: {  	_ = 	snop  }
0x4: {  	_ = 	snop  }
0x5: {  	_ = 	snop  }
0x6: {  	_ = 	snop  }
0x7: {  	_ = 	snop  }
__scs_overlays_trampoline_lowered:
0x8: {  	[smem:$0x3FAC] =	sst s0  }
0x9: {  	[smem:$0x3FAD] =	sst s1  }
0xa: {  	[smem:$0x3FAE] =	sst s2  }
0xb: {  	[smem:$0x3FAF] =	sst s3  }
0xc: {  	[smem:$0x3FB0] =	sst s4  }
0xd: {  	[smem:$0x3FB1] =	sst s5  }
0xe: {  	[smem:$0x3FB2] =	sst s6  }
0xf: {  	[smem:$0x3FB3] =	sst s7  }
0x10: {  	[smem:$0x3FB4] =	sst s8  }
0x11: {  	[smem:$0x3FB5] =	sst s9;
	s0 =	simm.s32 @!p0 $0x0  }
0x12: {  	s1 =	sld [smem:$0x3F9B];
	s0 =	simm.s32 @p0 $0x1  }
0x13: {  	[smem:$0x3FB6] =	sst s0;
	s0 =	simm.s32 @!p1 $0x0  }
0x14: {  	s2 =	sld [smem:$0x3F9A];
	s0 =	simm.s32 @p1 $0x1  }
0x15: {  	[smem:$0x3FB7] =	sst s0;
	s0 =	simm.s32 @!p2 $0x0  }
0x16: {  	s3 =	sld [smem:$0x3FDB];
	s0 =	simm.s32 @p2 $0x1  }
0x17: {  	s4 =	simm.s32 $0x1BF5;
	[smem:$0x3FB9] =	sst s0  }
0x18: {  	s0 =	sld [smem:$0x3F9C];
	_ =	swait.ge [sflag:s4], $0x0  }
0x19: {  	s7 =	sld [smem:$0x3F9D]  }
0x1a: {  	s8 =	sadd.s32 $0xFFFFE003, lr  }
0x1b: {  	s9 =	sadd.s32 $0xFFFFFEF7, lr;
	s5 =	simm.s32 $0xFFFFFFFF;
	p2 =	slt.u32 s8, $0xFFFFF086  }
0x1c: {  	p1 =	slt.u32 s9, $0xF7A;
	s5 =	simm.s32 @!p2 $0x0  }
0x1d: {  	s5 =	simm.s32 @p1 $0x1;
	p0 =	seq.s32 s7, s2  }
0x1e: {  	s7 =	smul.u32 @!p0 $0xF7A, s2;
	p2 =	seq.s32 @!p0 s5, $0x0  }
0x1f: {  	s9 =	smul.u32 $0xF7A, s1;
	s8 =	simm.s32 @!p0 $0x1BF5;
	p2 =	por !p2, p0  }
0x20: {  	[sflag:s8] =	ssyncset.s32 @!p0 $0xFFFFF086;
	s6 =	sadd.s32 @!p0 s3, s7;
	s7 =	simm.s32 @!p0 $0x108  }
0x21: {  	s3 =	sadd.s32 s3, s9;
	s6 =	sadd.s32 @!p0 $0x88, s6;
	s7 =	simm.s32 @p2 $0x1082  }
0x22: {  	[simem:s7], [sflag:s8] =	dma.local @!p0 [hbm:s6], $0xF7A  }
0x23: {  	s9 =	sor.u32 $0xD0000000, s2;
	s6 =	simm.s32 $0x108;
	_ =	swait.ge @!p0 [sflag:s8], $0x0  }
0x24: {  	s3 =	sadd.s32 $0x88, s3;
	s6 =	simm.s32 @!p1 $0x1082;
	[sflag:s4] =	ssyncset.s32 $0xFFFFF086  }
0x25: {  	[simem:s6], [sflag:s4] =	dma.local [hbm:s3], $0xF7A  }
0x26: {  	[smem:$0x3F9D] =	sst s1;
	(tag) =	ssettag s2;
	_ =	strace s9  }
0x27: {  	s1 =	sld [smem:$0x3FAD]  }
0x28: {  	s2 =	sld [smem:$0x3FAE]  }
0x29: {  	s4 =	sld [smem:$0x3FB0]  }
0x2a: {  	p0 =	seq.s32 s5, $0x0;
	s5 =	sld [smem:$0x3FB1]  }
0x2b: {  	s6 =	sld [smem:$0x3FB2]  }
0x2c: {  	s7 =	sld [smem:$0x3FB3]  }
0x2d: {  	s3 =	simm.s32 $0x108;
	s8 =	sld [smem:$0x3FB4]  }
0x2e: {  	s3 =	simm.s32 @!p0 $0x1082;
	s9 =	sld [smem:$0x3FB5]  }
0x2f: {  	lr =	sadd.s32 s0, s3;
	s0 =	sld [smem:$0x3FAC]  }
0x30: {  	s3 =	sld [smem:$0x3FAF]  }
0x31: {  	[smem:$0x3FB8] =	sst s10  }
0x32: {  	s10 =	sld [smem:$0x3FB6];
	_ =	sdelay $0x3  }
0x33: {  	p0 =	seq.s32 s10, $0x1;
	s10 =	sld [smem:$0x3FB8];
	_ =	sdelay $0x3  }
0x34: {  	[smem:$0x3FB8] =	sst s10  }
0x35: {  	s10 =	sld [smem:$0x3FB7];
	_ =	sdelay $0x3  }
0x36: {  	p1 =	seq.s32 s10, $0x1;
	s10 =	sld [smem:$0x3FB8];
	_ =	sdelay $0x3  }
0x37: {  	[smem:$0x3FB8] =	sst s10  }
0x38: {  	s10 =	sld [smem:$0x3FB9]  }
0x39: {  	_ = 	snop;
	(pc) =	sbr.ind lr, $3  }
0x3a: {  	_ = 	snop  }
0x3b: {  	_ = 	snop  }
0x3c: {  	p2 =	seq.s32 s10, $0x1;
	s10 =	sld [smem:$0x3FB8]  }
0x3d: {  	_ =	shalt  }
0x3e: {  	_ =	shalt  }
0x3f: {  	_ =	shalt  }
0x40: {  	_ =	shalt  }
0x41: {  	_ =	shalt  }
0x42: {  	_ =	shalt  }
0x43: {  	_ =	shalt  }
0x44: {  	_ =	shalt  }
0x45: {  	_ =	shalt  }
0x46: {  	_ =	shalt  }
0x47: {  	_ =	shalt  }
0x48: {  	_ =	shalt  }
0x49: {  	_ =	shalt  }
0x4a: {  	_ =	shalt  }
0x4b: {  	_ =	shalt  }
0x4c: {  	_ =	shalt  }
0x4d: {  	_ =	shalt  }
0x4e: {  	_ =	shalt  }
0x4f: {  	_ =	shalt  }
0x50: {  	_ =	shalt  }
0x51: {  	_ =	shalt  }
0x52: {  	_ =	shalt  }
0x53: {  	_ =	shalt  }
0x54: {  	_ =	shalt  }
0x55: {  	_ =	shalt  }
0x56: {  	_ =	shalt  }
0x57: {  	_ =	shalt  }
0x58: {  	_ =	shalt  }
0x59: {  	_ =	shalt  }
0x5a: {  	_ =	shalt  }
0x5b: {  	_ =	shalt  }
0x5c: {  	_ =	shalt  }
0x5d: {  	_ =	shalt  }
0x5e: {  	_ =	shalt  }
0x5f: {  	_ =	shalt  }
0x60: {  	_ =	shalt  }
0x61: {  	_ =	shalt  }
0x62: {  	_ =	shalt  }
0x63: {  	_ =	shalt  }
0x64: {  	_ =	shalt  }
0x65: {  	_ =	shalt  }
0x66: {  	_ =	shalt  }
0x67: {  	_ =	shalt  }
0x68: {  	_ =	shalt  }
0x69: {  	_ =	shalt  }
0x6a: {  	_ =	shalt  }
0x6b: {  	_ =	shalt  }
0x6c: {  	_ =	shalt  }
0x6d: {  	_ =	shalt  }
0x6e: {  	_ =	shalt  }
0x6f: {  	_ =	shalt  }
0x70: {  	_ =	shalt  }
0x71: {  	_ =	shalt  }
0x72: {  	_ =	shalt  }
0x73: {  	_ =	shalt  }
0x74: {  	_ =	shalt  }
0x75: {  	_ =	shalt  }
0x76: {  	_ =	shalt  }
0x77: {  	_ =	shalt  }
0x78: {  	_ =	shalt  }
0x79: {  	_ =	shalt  }
0x7a: {  	_ =	shalt  }
0x7b: {  	_ =	shalt  }
0x7c: {  	_ =	shalt  }
0x7d: {  	_ =	shalt  }
0x7e: {  	_ =	shalt  }
0x7f: {  	_ =	shalt  }
0x80: {  	_ =	shalt  }
0x81: {  	_ =	shalt  }
0x82: {  	_ =	shalt  }
0x83: {  	_ =	shalt  }
0x84: {  	_ =	shalt  }
0x85: {  	_ =	shalt  }
0x86: {  	_ =	shalt  }
0x87: {  	_ =	shalt  }
.Lfunc_end0:
.L_simem_size_0:
called_computation_lowered:
.L_overlay_start_0:
0x88: {  	s2 =	sld [smem:$0x3FD9]  }
0x89: {  	s3 =	sld [smem:$0x3FFE];
	_ =	sdelay $0x1  }
0x8a: {  	s1 =	srdreg.scid  }
0x8b: {  	s0 =	sand.u32 $0x1, s1  }
0x8c: {  	s17 =	sshll.u32 s0, $0xA;
	s2 =	sadd.s32 s3, s2  }
0x8d: {  	s2 =	sadd.s32 s2, s17  }
0x8e: {  	[smem:$0x3FC4] =	sst s2  }
0x8f: {  	_ = 	snop  }
0x90: {  	s2 =	sld [smem:$0x3FC9]  }
0x91: {  	s18 =	sld [smem:$0x3FC8]  }
0x92: {  	s4 =	sld [smem:$0x3FC6];
	(tm) =	ssettm $0x1  }
0x93: {  	s5 =	sld [smem:$0x3FFB];
	_ =	sdelay $0x3  }
0x94: {  	_ =	strace s5  }
0x95: {  	s5 =	sld [smem:$0x3FFC];
	_ =	sdelay $0x3  }
0x96: {  	_ =	strace s5  }
0x97: {  	s5 =	sld [smem:$0x3FFD];
	_ =	sdelay $0x3  }
0x98: {  	_ =	strace s5  }
0x99: {  	_ =	strace $0x8FFFFFFF  }
0x9a: {  	s19 =	sld [smem:$0x3FDB];
	_ =	sdelay $0x1  }
0x9b: {  	s6 =	simm.s32 $_scs_section_size  }
0x9c: {  	s7 =	simm.s32 $_size__tile_overlayer_lowered;
	s8 =	simm.s32 $_tile_overlayer_lowered  }
0x9d: {  	s22 =	simm.s32 $0x1BFF;
	s21 =	sshll.u32 s8, $0x1;
	s5 =	sadd.s32 s6, s19  }
0x9e: {  	s9 =	simm.s32 $0x0;
	s20 =	sshll.u32 s7, $0x1;
	s7 =	sadd.s32 s21, s5  }
0x9f: {  	[timem:s9], [sflag:s22] =	dma.local [hbm:s7], s20  }
0xa0: {  	_ =	swait.ge [sflag:s22], s20  }
0xa1: {  	s6 =	ssub.s32 $0x0, s20;
	[sflag:s22] =	ssyncset.done $0x0  }
0xa2: {  	[sflag:s22] =	ssyncadd.s32 s6;
	_ =	sdelay $0x1  }
0xa3: {  	s23 =	simm.s32 $0x1B8B  }
0xa4: {  	_ =	swait.ge [sflag:s23], $0x1  }
0xa5: {  	[sflag:s23] =	ssyncset.done $0x0  }
0xa6: {  	s25 =	simm.s32 $0x1B8E;
	s24 =	sld [smem:$0x3FFE];
	[sflag:s23] =	ssyncadd.s32 $0xFFFFFFFF  }
0xa7: {  	s26 =	simm.s32 $execute0_lowered;
	[smem:$0x3FD2] =	sst s25  }
0xa8: {  	s7 =	sshll.u32 s26, $0x1;
	_ =	strace $0x80000046;
	[dreg:$0x1] =	wrdreg $0xFFFFFFFF  }
0xa9: {  	s28 =	simm.s32 $_size_execute0_lowered;
	s5 =	sadd.s32 s5, s7;
	[dreg:$0x0] =	wrdreg $0x0  }
0xaa: {  	s7 =	sshll.u32 s28, $0x1;
	[dreg:$0x2] =	wrdreg s5  }
0xab: {  	[dreg:$0x3] =	wrdreg s7  }
0xac: {  	[dreg:$0x4] =	wrdreg $0xC0  }
0xad: {  	_ =	task [dreg:s9], $0x5FFFF  }
0xae: {  	[dreg:$0x1] =	wrdreg $0xFFFFFFFF  }
0xaf: {  	[dreg:$0x0] =	wrdreg $0x60  }
0xb0: {  	[dreg:$0x2] =	wrdreg s2  }
0xb1: {  	[dreg:$0x3] =	wrdreg s18  }
0xb2: {  	[dreg:$0x4] =	wrdreg s24  }
0xb3: {  	[dreg:$0x5] =	wrdreg s4  }
0xb4: {  	[dreg:$0x6] =	wrdreg $0x9  }
0xb5: {  	_ =	task.clear_ibuf [dreg:s9], $0x7FFFF;
	_ =	strace $0x90000046  }
0xb6: {  	s29 =	simm.s32 $0x9;
	_ =	strace $0x80000048  }
0xb7: {  	_ =	swait.ge [sflag:s29], $0x1  }
0xb8: {  	[sflag:s29] =	ssyncadd.s32 $0xFFFFFFFF  }
0xb9: {  	_ =	strace $0x90000048  }
0xba: {  	_ =	sfence  }
0xbb: {  	s30 =	sld [smem:$0x0];
	_ =	sdelay $0x2  }
0xbc: {  	s31 =	sshll.u32 s1, $0xD;
	s1 =	sshrl.u32 s1, $0x2  }
0xbd: {  	s3 =	sand.u32 $0x4000, s31;
	s1 =	sadd.s32 s1, s30  }
0xbe: {  	s0 =	sor.u32 s3, s0;
	s1 =	sshll.u32 s1, $0x11  }
0xbf: {  	s0 =	sor.u32 s1, s0  }
0xc0: {  	s0 =	sadd.s32 $0x8F2B, s0  }
0xc1: {  	[sflag:s0] =	ssyncadd.remote.s32 $0x1  }
0xc2: {  	_ =	sfence.sel $0xFFFF  }
0xc3: {  	[dreg:$0x0] =	wrdreg $0xFFFFFFFF;
	(pc) =	sbr.abs _section_cstart, $3  }
0xc4: {  	[dreg:$0x1] =	wrdreg $0xFFFFFFFF  }
0xc5: {  	_ =	task.clear_ibuf [dreg:s9], $0x2FFFF;
	_ =	strace $0x9FFFFFFF  }
0xc6: {  	(tm) =	ssettm $0x7FFFFFFF  }
0xc7: {  	_ =	shalt  }
tec
execute0_lowered:
.L_overlay_start_1:
0x0: {  	(tag) =	ssettag $0x1  }
0x1: {  	s5 =	rddreg [dreg:$0x0]  }
0x2: {  	s6 =	rddreg [dreg:$0x1]  }
0x3: {  	s1 =	rddreg [dreg:$0x2]  }
0x4: {  	s2 =	rddreg [dreg:$0x3]  }
0x5: {  	s0 =	rddreg [dreg:$0x4]  }
0x6: {  	s3 =	simm.s32 $0x0;
	s4 =	srdreg.scid;
	s12 =	simm.s32 $0x80  }
0x7: {  	s13 =	simm.s32 $0x400;
	s14 =	simm.s32 $0x600;
	s15 =	simm.s32 $0x480  }
0x8: {  	s16 =	simm.s32 $0x680;
	s17 =	simm.s32 $0x500;
	s18 =	simm.s32 $0x700  }
0x9: {  	s19 =	simm.s32 $0x580;
	s20 =	simm.s32 $0x780;
	s21 =	simm.s32 $0x2  }
0xa: {  	s22 =	simm.s32 $0x3;
	s23 =	simm.s32 $0x4;
	s24 =	simm.s32 $0x5  }
0xb: {  	s25 =	simm.s32 $0x6;
	s26 =	simm.s32 $0xC00;
	[smem:$0x7FF] =	sst s3  }
0xc: {  	s28 =	simm.s32 $0x7;
	s7 =	sand.u32 $0x1, s4;
	_ =	strace $0x80000047  }
0xd: {  	s4 =	sshll.u32 s7, $0x4;
	s9 =	ssub.s32 $0x2, s7;
	s7 =	sshll.u32 s7, $0x6  }
0xe: {  	s8 =	sadd.s32 s4, s1;
	s4 =	stileid.u32;
	s10 =	sshrl.u32 s9, $0x1  }
0xf: {  	s11 =	sshll.u32 s4, $0x7;
	s9 =	ssub.s32 s9, s10;
	s30 =	sshll.u32 s4, $0x5  }
0x10: {  	s10 =	simm.s32 $0x800;
	s7 =	sor.u32 s7, s11;
	s31 =	sadd.s32 s30, s8  }
0x11: {  	s8 =	smax.u32 s9, $0x1;
	s9 =	simm.s32 $0x200;
	s11 =	simm.s32 $0x1  }
0x12: {  	s5 =	sadd.s32 s5, s7;
	s6 =	sadd.s32 s6, s7;
	s7 =	sadd.s32 $0x1EA00, s31  }
.LBB2_1:
0x13: {  	[tilespmem:s3], [sflag:$0x1] =	stream.linear.gather [hbm4b:s5+s3], $0x200, $0x38;
	[tilespmem:$0xC80] =	vst v63  }
0x14: {  	_ = 	snop  }
0x15: {  	[tilespmem:s9], [sflag:$0x1] =	stream.linear.gather [hbm4b:s6+s3], $0x200, $0x38;
	[tilespmem:$0xC80] =	vst v63  }
0x16: {  	_ = 	snop  }
0x17: {  	[tilespmem:s10], [sflag:$0x2] =	stream.linear.gather [hbm4b:s2+s3], $0x400, $0x38;
	[tilespmem:$0xC80] =	vst v63  }
0x18: {  	_ =	swait.ge [sflag:s11], $0x200  }
0x19: {  	[sflag:s11] =	ssyncset.done $0x0  }
0x1a: {  	[sflag:s11] =	ssyncadd.s32 $0xFFFFFE00  }
0x1b: {  	_ =	swait.ge [sflag:s11], $0x200  }
0x1c: {  	[sflag:s11] =	ssyncset.done $0x0  }
0x1d: {  	[sflag:s11] =	ssyncadd.s32 $0xFFFFFE00  }
0x1e: {  	v0 =	vld [tilespmem:$0x0]  }
0x1f: {  	v1 =	vld [tilespmem:$0x200]  }
0x20: {  	v2 =	vld [tilespmem:$0x10]  }
0x21: {  	v3 =	vld [tilespmem:$0x210]  }
0x22: {  	v4 =	vld [tilespmem:$0x20]  }
0x23: {  	v5 =	vld [tilespmem:$0x220]  }
0x24: {  	v6 =	vld [tilespmem:$0x30]  }
0x25: {  	v7 =	vld [tilespmem:$0x230]  }
0x26: {  	v8 =	vld [tilespmem:$0x40]  }
0x27: {  	v9 =	vld [tilespmem:$0x240]  }
0x28: {  	v10 =	vld [tilespmem:$0x50]  }
0x29: {  	v11 =	vld [tilespmem:$0x250];
	v0 =	vmul.u32 $0x3E8, v0  }
0x2a: {  	v12 =	vld [tilespmem:$0x60];
	v2 =	vmul.u32 $0x3E8, v2  }
0x2b: {  	v33 =	vld [tilespmem:$0x70];
	v32 =	vmul.u32 $0x3E8, v4;
	v0 =	vadd.s32 v1, v0  }
0x2c: {  	v36 =	vld [tilespmem:$0x260];
	v35 =	vmul.u32 $0x3E8, v6;
	v34 =	vadd.s32 v3, v2;
	[tilespmem:$0x400] =	vst v0  }
0x2d: {  	v39 =	vld [tilespmem:$0x270];
	v38 =	vmul.u32 $0x3E8, v8;
	v37 =	vadd.s32 v5, v32;
	[tilespmem:$0x410] =	vst v34  }
0x2e: {  	v41 =	vmul.u32 $0x3E8, v10;
	v40 =	vadd.s32 v7, v35;
	[tilespmem:$0x420] =	vst v37  }
0x2f: {  	v43 =	vmul.u32 $0x3E8, v12;
	v42 =	vadd.s32 v9, v38;
	[tilespmem:$0x430] =	vst v40  }
0x30: {  	v45 =	vmul.u32 $0x3E8, v33;
	v44 =	vadd.s32 v11, v41;
	[tilespmem:$0x440] =	vst v42  }
0x31: {  	v46 =	vadd.s32 v36, v43;
	[tilespmem:$0x450] =	vst v44  }
0x32: {  	v47 =	vadd.s32 v39, v45;
	[tilespmem:$0x460] =	vst v46  }
0x33: {  	[tilespmem:$0x470] =	vst v47  }
0x34: {  	[tilespmem:s14], [sflag:$0x3] =	stream.indirect.gather [hbm4b:s1+s12], $0x1, s13, s12, $0xb8;
	[tilespmem:$0xC80] =	vst v63  }
0x35: {  	v48 =	vld [tilespmem:$0x80]  }
0x36: {  	v49 =	vld [tilespmem:$0x280]  }
0x37: {  	v50 =	vld [tilespmem:$0x90]  }
0x38: {  	v51 =	vld [tilespmem:$0x290]  }
0x39: {  	v52 =	vld [tilespmem:$0xA0]  }
0x3a: {  	v53 =	vld [tilespmem:$0x2A0]  }
0x3b: {  	v54 =	vld [tilespmem:$0xB0]  }
0x3c: {  	v55 =	vld [tilespmem:$0x2B0]  }
0x3d: {  	v56 =	vld [tilespmem:$0xC0]  }
0x3e: {  	v57 =	vld [tilespmem:$0x2C0]  }
0x3f: {  	v58 =	vld [tilespmem:$0xD0]  }
0x40: {  	v59 =	vld [tilespmem:$0x2D0];
	v0 =	vmul.u32 $0x3E8, v48  }
0x41: {  	v60 =	vld [tilespmem:$0xE0];
	v2 =	vmul.u32 $0x3E8, v50  }
0x42: {  	v62 =	vld [tilespmem:$0xF0];
	v61 =	vmul.u32 $0x3E8, v52;
	v0 =	vadd.s32 v49, v0  }
0x43: {  	v14 =	vld [tilespmem:$0x2E0];
	v13 =	vmul.u32 $0x3E8, v54;
	v63 =	vadd.s32 v51, v2;
	[tilespmem:$0x480] =	vst v0  }
0x44: {  	v17 =	vld [tilespmem:$0x2F0];
	v16 =	vmul.u32 $0x3E8, v56;
	v15 =	vadd.s32 v53, v61;
	[tilespmem:$0x490] =	vst v63  }
0x45: {  	v19 =	vmul.u32 $0x3E8, v58;
	v18 =	vadd.s32 v55, v13;
	[tilespmem:$0x4A0] =	vst v15  }
0x46: {  	v21 =	vmul.u32 $0x3E8, v60;
	v20 =	vadd.s32 v57, v16;
	[tilespmem:$0x4B0] =	vst v18  }
0x47: {  	v23 =	vmul.u32 $0x3E8, v62;
	v22 =	vadd.s32 v59, v19;
	[tilespmem:$0x4C0] =	vst v20  }
0x48: {  	v24 =	vadd.s32 v14, v21;
	[tilespmem:$0x4D0] =	vst v22  }
0x49: {  	v25 =	vadd.s32 v17, v23;
	[tilespmem:$0x4E0] =	vst v24  }
0x4a: {  	[tilespmem:$0x4F0] =	vst v25  }
0x4b: {  	[tilespmem:s16], [sflag:$0x4] =	stream.indirect.gather [hbm4b:s1+s12], $0x1, s15, s12, $0xb8;
	[tilespmem:$0xC80] =	vst v63  }
0x4c: {  	v26 =	vld [tilespmem:$0x100]  }
0x4d: {  	v27 =	vld [tilespmem:$0x300]  }
0x4e: {  	v28 =	vld [tilespmem:$0x110]  }
0x4f: {  	v29 =	vld [tilespmem:$0x310]  }
0x50: {  	v30 =	vld [tilespmem:$0x120]  }
0x51: {  	v31 =	vld [tilespmem:$0x320]  }
0x52: {  	v32 =	vld [tilespmem:$0x130]  }
0x53: {  	v33 =	vld [tilespmem:$0x330]  }
0x54: {  	v34 =	vld [tilespmem:$0x140]  }
0x55: {  	v35 =	vld [tilespmem:$0x340]  }
0x56: {  	v36 =	vld [tilespmem:$0x150]  }
0x57: {  	v37 =	vld [tilespmem:$0x350];
	v0 =	vmul.u32 $0x3E8, v26  }
0x58: {  	v38 =	vld [tilespmem:$0x160];
	v2 =	vmul.u32 $0x3E8, v28  }
0x59: {  	v40 =	vld [tilespmem:$0x170];
	v39 =	vmul.u32 $0x3E8, v30;
	v0 =	vadd.s32 v27, v0  }
0x5a: {  	v43 =	vld [tilespmem:$0x360];
	v42 =	vmul.u32 $0x3E8, v32;
	v41 =	vadd.s32 v29, v2;
	[tilespmem:$0x500] =	vst v0  }
0x5b: {  	v46 =	vld [tilespmem:$0x370];
	v45 =	vmul.u32 $0x3E8, v34;
	v44 =	vadd.s32 v31, v39;
	[tilespmem:$0x510] =	vst v41  }
0x5c: {  	v48 =	vmul.u32 $0x3E8, v36;
	v47 =	vadd.s32 v33, v42;
	[tilespmem:$0x520] =	vst v44  }
0x5d: {  	v50 =	vmul.u32 $0x3E8, v38;
	v49 =	vadd.s32 v35, v45;
	[tilespmem:$0x530] =	vst v47  }
0x5e: {  	v52 =	vmul.u32 $0x3E8, v40;
	v51 =	vadd.s32 v37, v48;
	[tilespmem:$0x540] =	vst v49  }
0x5f: {  	v53 =	vadd.s32 v43, v50;
	[tilespmem:$0x550] =	vst v51  }
0x60: {  	v54 =	vadd.s32 v46, v52;
	[tilespmem:$0x560] =	vst v53  }
0x61: {  	[tilespmem:$0x570] =	vst v54  }
0x62: {  	[tilespmem:s18], [sflag:$0x5] =	stream.indirect.gather [hbm4b:s1+s12], $0x1, s17, s12, $0xb8;
	[tilespmem:$0xC80] =	vst v63  }
0x63: {  	v55 =	vld [tilespmem:$0x180]  }
0x64: {  	v56 =	vld [tilespmem:$0x380]  }
0x65: {  	v57 =	vld [tilespmem:$0x190]  }
0x66: {  	v58 =	vld [tilespmem:$0x390]  }
0x67: {  	v59 =	vld [tilespmem:$0x1A0]  }
0x68: {  	v60 =	vld [tilespmem:$0x3A0]  }
0x69: {  	v61 =	vld [tilespmem:$0x1B0]  }
0x6a: {  	v62 =	vld [tilespmem:$0x3B0]  }
0x6b: {  	v63 =	vld [tilespmem:$0x1C0]  }
0x6c: {  	v16 =	vld [tilespmem:$0x3C0]  }
0x6d: {  	v17 =	vld [tilespmem:$0x1D0]  }
0x6e: {  	v18 =	vld [tilespmem:$0x3D0];
	v0 =	vmul.u32 $0x3E8, v55  }
0x6f: {  	v19 =	vld [tilespmem:$0x1E0];
	v2 =	vmul.u32 $0x3E8, v57  }
0x70: {  	v21 =	vld [tilespmem:$0x1F0];
	v20 =	vmul.u32 $0x3E8, v59;
	v0 =	vadd.s32 v56, v0  }
0x71: {  	v24 =	vld [tilespmem:$0x3E0];
	v23 =	vmul.u32 $0x3E8, v61;
	v22 =	vadd.s32 v58, v2;
	[tilespmem:$0x580] =	vst v0  }
0x72: {  	v27 =	vld [tilespmem:$0x3F0];
	v26 =	vmul.u32 $0x3E8, v63;
	v25 =	vadd.s32 v60, v20;
	[tilespmem:$0x590] =	vst v22  }
0x73: {  	v29 =	vmul.u32 $0x3E8, v17;
	v28 =	vadd.s32 v62, v23;
	[tilespmem:$0x5A0] =	vst v25  }
0x74: {  	v31 =	vmul.u32 $0x3E8, v19;
	v30 =	vadd.s32 v16, v26;
	[tilespmem:$0x5B0] =	vst v28  }
0x75: {  	v33 =	vmul.u32 $0x3E8, v21;
	v32 =	vadd.s32 v18, v29;
	[tilespmem:$0x5C0] =	vst v30  }
0x76: {  	v34 =	vadd.s32 v24, v31;
	[tilespmem:$0x5D0] =	vst v32  }
0x77: {  	v35 =	vadd.s32 v27, v33;
	[tilespmem:$0x5E0] =	vst v34  }
0x78: {  	[tilespmem:$0x5F0] =	vst v35  }
0x79: {  	[tilespmem:s20], [sflag:$0x6] =	stream.indirect.gather [hbm4b:s1+s12], $0x1, s19, s12, $0xb8;
	[tilespmem:$0xC80] =	vst v63  }
0x7a: {  	_ =	swait.ge [sflag:s21], $0x400  }
0x7b: {  	[sflag:s21] =	ssyncset.done $0x0  }
0x7c: {  	[sflag:s21] =	ssyncadd.s32 $0xFFFFFC00  }
0x7d: {  	_ =	swait.ge [sflag:s22], $0x80  }
0x7e: {  	[sflag:s22] =	ssyncset.done $0x0  }
0x7f: {  	[sflag:s22] =	ssyncadd.s32 $0xFFFFFF80  }
0x80: {  	v36 =	vld [tilespmem:$0x0]  }
0x81: {  	v37 =	vld [tilespmem:$0x600]  }
0x82: {  	v38 =	vld [tilespmem:$0x10]  }
0x83: {  	v39 =	vld [tilespmem:$0x20]  }
0x84: {  	v40 =	vld [tilespmem:$0x30]  }
0x85: {  	v41 =	vld [tilespmem:$0x40]  }
0x86: {  	v42 =	vld [tilespmem:$0x50]  }
0x87: {  	v43 =	vld [tilespmem:$0x60]  }
0x88: {  	v44 =	vld [tilespmem:$0x70]  }
0x89: {  	v11 =	vld.idx.msk [tilespmem:v36+s10+$0x0], $0xffff  }
0x8a: {  	v13 =	vld.idx.msk [tilespmem:v38+s10+$0x0], $0xffff  }
0x8b: {  	v17 =	vld.idx.msk [tilespmem:v39+s10+$0x0], $0xffff  }
0x8c: {  	v19 =	vld.idx.msk [tilespmem:v40+s10+$0x0], $0xffff  }
0x8d: {  	v20 =	vld.idx.msk [tilespmem:v41+s10+$0x0], $0xffff  }
0x8e: {  	v21 =	vld.idx.msk [tilespmem:v42+s10+$0x0], $0xffff;
	(erf) = vrcp.f32 v11  }
0x8f: {  	v8 =	vld.idx.msk [tilespmem:v43+s10+$0x0], $0xffff;
	(erf) = vrcp.f32 v13  }
0x90: {  	v6 =	vld.idx.msk [tilespmem:v44+s10+$0x0], $0xffff;
	(erf) = vrcp.f32 v17  }
0x91: {  	v45 =	vld [tilespmem:$0x610];
	(erf) = vrcp.f32 v19  }
0x92: {  	v46 =	vld [tilespmem:$0x620];
	(erf) = vrcp.f32 v20  }
0x93: {  	v47 =	vld [tilespmem:$0x630];
	(erf) = vrcp.f32 v21  }
0x94: {  	v48 =	vld [tilespmem:$0x640];
	(erf) = vrcp.f32 v8  }
0x95: {  	v49 =	vld [tilespmem:$0x650];
	(erf) = vrcp.f32 v6  }
0x96: {  	v50 =	vld [tilespmem:$0x660]  }
0x97: {  	v51 =	vld [tilespmem:$0x670];
	v23 =	vpop (erf)  }
0x98: {  	v22 =	vld.idx.msk [tilespmem:v37+s10+$0x0], $0xffff;
	v25 =	vpop (erf)  }
0x99: {  	v24 =	vld.idx.msk [tilespmem:v45+s10+$0x0], $0xffff;
	v27 =	vpop (erf)  }
0x9a: {  	v26 =	vld.idx.msk [tilespmem:v46+s10+$0x0], $0xffff;
	v29 =	vpop (erf)  }
0x9b: {  	v28 =	vld.idx.msk [tilespmem:v47+s10+$0x0], $0xffff;
	v31 =	vpop (erf)  }
0x9c: {  	v30 =	vld.idx.msk [tilespmem:v48+s10+$0x0], $0xffff;
	v33 =	vpop (erf)  }
0x9d: {  	v32 =	vld.idx.msk [tilespmem:v49+s10+$0x0], $0xffff;
	v35 =	vpop (erf)  }
0x9e: {  	v34 =	vld.idx.msk [tilespmem:v50+s10+$0x0], $0xffff;
	v37 =	vpop (erf)  }
0x9f: {  	v36 =	vld.idx.msk [tilespmem:v51+s10+$0x0], $0xffff;
	_ =	swait.ge [sflag:s23], $0x80  }
0xa0: {  	[sflag:s23] =	ssyncset.done $0x0  }
0xa1: {  	[sflag:s23] =	ssyncadd.s32 $0xFFFFFF80  }
0xa2: {  	v52 =	vld [tilespmem:$0x80]  }
0xa3: {  	v53 =	vld [tilespmem:$0x680]  }
0xa4: {  	v54 =	vld [tilespmem:$0x90]  }
0xa5: {  	v55 =	vld [tilespmem:$0xA0]  }
0xa6: {  	v56 =	vld [tilespmem:$0xB0]  }
0xa7: {  	v57 =	vld [tilespmem:$0xC0]  }
0xa8: {  	v58 =	vld [tilespmem:$0xD0]  }
0xa9: {  	v59 =	vld [tilespmem:$0xE0]  }
0xaa: {  	v60 =	vld [tilespmem:$0xF0]  }
0xab: {  	v38 =	vld.idx.msk [tilespmem:v52+s10+$0x0], $0xffff  }
0xac: {  	v39 =	vld.idx.msk [tilespmem:v54+s10+$0x0], $0xffff  }
0xad: {  	v14 =	vld.idx.msk [tilespmem:v55+s10+$0x0], $0xffff  }
0xae: {  	v7 =	vld.idx.msk [tilespmem:v56+s10+$0x0], $0xffff  }
0xaf: {  	v3 =	vld.idx.msk [tilespmem:v57+s10+$0x0], $0xffff  }
0xb0: {  	v2 =	vld.idx.msk [tilespmem:v58+s10+$0x0], $0xffff;
	(erf) = vrcp.f32 v38  }
0xb1: {  	v1 =	vld.idx.msk [tilespmem:v59+s10+$0x0], $0xffff;
	(erf) = vrcp.f32 v39  }
0xb2: {  	v0 =	vld.idx.msk [tilespmem:v60+s10+$0x0], $0xffff;
	(erf) = vrcp.f32 v14  }
0xb3: {  	v61 =	vld [tilespmem:$0x690];
	(erf) = vrcp.f32 v7  }
0xb4: {  	v62 =	vld [tilespmem:$0x6A0];
	(erf) = vrcp.f32 v3  }
0xb5: {  	v18 =	vld [tilespmem:$0x6C0];
	(erf) = vrcp.f32 v2  }
0xb6: {  	v15 =	vld [tilespmem:$0x6D0];
	(erf) = vrcp.f32 v1  }
0xb7: {  	v63 =	vld [tilespmem:$0x6B0];
	(erf) = vrcp.f32 v0  }
0xb8: {  	v40 =	vld [tilespmem:$0x6E0]  }
0xb9: {  	v41 =	vld [tilespmem:$0x6F0];
	v43 =	vpop (erf)  }
0xba: {  	v42 =	vld.idx.msk [tilespmem:v53+s10+$0x0], $0xffff;
	v45 =	vpop (erf)  }
0xbb: {  	v44 =	vld.idx.msk [tilespmem:v61+s10+$0x0], $0xffff;
	v47 =	vpop (erf)  }
0xbc: {  	v46 =	vld.idx.msk [tilespmem:v62+s10+$0x0], $0xffff;
	v49 =	vpop (erf)  }
0xbd: {  	v16 =	vld.idx.msk [tilespmem:v18+s10+$0x0], $0xffff;
	v18 =	vpop (erf)  }
0xbe: {  	v12 =	vld.idx.msk [tilespmem:v15+s10+$0x0], $0xffff;
	v15 =	vpop (erf)  }
0xbf: {  	vm0 =	vlt.f32 v11, $0.0e+00;
	vm1 =	vgt.f32 v11, $0.0e+00;
	v48 =	vld.idx.msk [tilespmem:v63+s10+$0x0], $0xffff;
	v10 =	vpop (erf)  }
0xc0: {  	vm12 =	vlt.f32 v13, $0.0e+00;
	v22 =	vmul.f32 v23, v22;
	v24 =	vmul.f32 v25, v24;
	v9 =	vld.idx.msk [tilespmem:v40+s10+$0x0], $0xffff;
	v5 =	vpop (erf)  }
0xc1: {  	vm2 =	vgt.f32 v13, $0.0e+00;
	vm14 =	vlt.f32 v17, $0.0e+00;
	vm15 =	vgt.f32 v17, $0.0e+00;
	v4 =	vld.idx.msk [tilespmem:v41+s10+$0x0], $0xffff;
	_ =	swait.ge [sflag:s24], $0x80  }
0xc2: {  	vm5 =	vlt.f32 v19, $0.0e+00;
	v22 =	vsub.f32 $1.000000000e+00, v22;
	v11 =	vsub.f32 $1.000000000e+00, v24;
	[sflag:s24] =	ssyncset.done $0x0  }
0xc3: {  	vm6 =	vgt.f32 v19, $0.0e+00;
	vm0 =	vmor vm1, vm0;
	vm13 =	vmor vm2, vm12;
	[sflag:s24] =	ssyncadd.s32 $0xFFFFFF80  }
0xc4: {  	v22 =	vnsel vm0, $0x0, v22;
	v11 =	vnsel vm13, $0x0, v11;
	v40 =	vmul.f32 v27, v26;
	v25 =	vld [tilespmem:$0x100]  }
0xc5: {  	vm7 =	vlt.f32 v20, $0.0e+00;
	vm8 =	vgt.f32 v20, $0.0e+00;
	v11 =	vadd.f32 v11, v22;
	v22 =	vld [tilespmem:$0x700]  }
0xc6: {  	vm10 =	vlt.f32 v21, $0.0e+00;
	v41 =	vmul.f32 v29, v28;
	v13 =	vsub.f32 $1.000000000e+00, v40;
	v51 =	vld [tilespmem:$0x110]  }
0xc7: {  	vm11 =	vgt.f32 v21, $0.0e+00;
	vm4 =	vmor vm15, vm14;
	vm9 =	vmor vm8, vm7;
	v53 =	vld [tilespmem:$0x120]  }
0xc8: {  	v50 =	vmul.f32 v31, v30;
	v17 =	vsub.f32 $1.000000000e+00, v41;
	v13 =	vnsel vm4, $0x0, v13;
	v55 =	vld [tilespmem:$0x130]  }
0xc9: {  	vm12 =	vmor vm11, vm10;
	vm0 =	vmor vm6, vm5;
	v11 =	vadd.f32 v13, v11;
	v56 =	vld [tilespmem:$0x140]  }
0xca: {  	v52 =	vmul.f32 v33, v32;
	v54 =	vsub.f32 $1.000000000e+00, v50;
	v17 =	vnsel vm0, $0x0, v17;
	v58 =	vld [tilespmem:$0x150]  }
0xcb: {  	vm14 =	vgt.f32 v8, $0.0e+00;
	v37 =	vmul.f32 v37, v36;
	v11 =	vadd.f32 v17, v11;
	v60 =	vld [tilespmem:$0x160]  }
0xcc: {  	v57 =	vmul.f32 v35, v34;
	v20 =	vsub.f32 $1.000000000e+00, v52;
	v17 =	vnsel vm9, $0x0, v54;
	v62 =	vld [tilespmem:$0x170]  }
0xcd: {  	vm15 =	vlt.f32 v6, $0.0e+00;
	vm13 =	vlt.f32 v8, $0.0e+00;
	v11 =	vadd.f32 v17, v11;
	v13 =	vld.idx.msk [tilespmem:v25+s10+$0x0], $0xffff  }
0xce: {  	v61 =	vsub.f32 $1.000000000e+00, v57;
	v41 =	vsub.f32 $1.000000000e+00, v37;
	v59 =	vnsel vm12, $0x0, v20;
	v23 =	vld.idx.msk [tilespmem:v51+s10+$0x0], $0xffff  }
0xcf: {  	vm0 =	vmor vm14, vm13;
	vm4 =	vgt.f32 v6, $0.0e+00;
	v11 =	vadd.f32 v59, v11;
	v24 =	vld.idx.msk [tilespmem:v53+s10+$0x0], $0xffff  }
0xd0: {  	v8 =	vnsel vm0, $0x0, v61;
	vm0 =	vmor vm4, vm15;
	v40 =	vmul.f32 v43, v42;
	v19 =	vld.idx.msk [tilespmem:v55+s10+$0x0], $0xffff  }
0xd1: {  	vm5 =	vlt.f32 v38, $0.0e+00;
	vm6 =	vgt.f32 v38, $0.0e+00;
	v8 =	vadd.f32 v8, v11;
	v17 =	vld.idx.msk [tilespmem:v56+s10+$0x0], $0xffff  }
0xd2: {  	v42 =	vnsel vm0, $0x0, v41;
	v6 =	vsub.f32 $1.000000000e+00, v40;
	v11 =	vld.idx.msk [tilespmem:v58+s10+$0x0], $0xffff;
	(erf) = vrcp.f32 v13  }
0xd3: {  	vm7 =	vmor vm6, vm5;
	v21 =	vadd.f32 v42, v8;
	v8 =	vld.idx.msk [tilespmem:v60+s10+$0x0], $0xffff;
	(erf) = vrcp.f32 v23  }
0xd4: {  	v43 =	vnsel vm7, $0x0, v6;
	v6 =	vld.idx.msk [tilespmem:v62+s10+$0x0], $0xffff;
	(erf) = vrcp.f32 v24  }
0xd5: {  	v63 =	vld [tilespmem:$0x710];
	(erf) = vrcp.f32 v19  }
0xd6: {  	v50 =	vld [tilespmem:$0x720];
	(erf) = vrcp.f32 v17  }
0xd7: {  	v52 =	vld [tilespmem:$0x730];
	(erf) = vrcp.f32 v11  }
0xd8: {  	vm8 =	vlt.f32 v39, $0.0e+00;
	vm10 =	vlt.f32 v14, $0.0e+00;
	v54 =	vld [tilespmem:$0x740];
	(erf) = vrcp.f32 v8  }
0xd9: {  	vm11 =	vgt.f32 v14, $0.0e+00;
	vm13 =	vlt.f32 v7, $0.0e+00;
	v57 =	vld [tilespmem:$0x760];
	(erf) = vrcp.f32 v6  }
0xda: {  	vm14 =	vgt.f32 v7, $0.0e+00;
	vm15 =	vlt.f32 v3, $0.0e+00;
	vm4 =	vgt.f32 v3, $0.0e+00;
	v59 =	vld [tilespmem:$0x770]  }
0xdb: {  	vm12 =	vmor vm11, vm10;
	vm5 =	vlt.f32 v2, $0.0e+00;
	vm9 =	vgt.f32 v39, $0.0e+00;
	v55 =	vld [tilespmem:$0x750];
	v60 =	vpop (erf)  }
0xdc: {  	vm6 =	vgt.f32 v2, $0.0e+00;
	vm11 =	vlt.f32 v0, $0.0e+00;
	vm0 =	vmor vm9, vm8;
	v22 =	vld.idx.msk [tilespmem:v22+s10+$0x0], $0xffff;
	v61 =	vpop (erf)  }
0xdd: {  	vm8 =	vlt.f32 v1, $0.0e+00;
	vm9 =	vgt.f32 v1, $0.0e+00;
	v51 =	vmul.f32 v45, v44;
	v27 =	vld.idx.msk [tilespmem:v63+s10+$0x0], $0xffff;
	v63 =	vpop (erf)  }
0xde: {  	vm10 =	vmor vm9, vm8;
	v16 =	vmul.f32 v18, v16;
	vm7 =	vmor vm6, vm5;
	v34 =	vld.idx.msk [tilespmem:v50+s10+$0x0], $0xffff;
	v35 =	vpop (erf)  }
0xdf: {  	v20 =	vadd.f32 v43, v21;
	v53 =	vmul.f32 v47, v46;
	v36 =	vld.idx.msk [tilespmem:v52+s10+$0x0], $0xffff;
	v25 =	vsub.f32 $1.000000000e+00, v51;
	v38 =	vpop (erf)  }
0xe0: {  	v12 =	vmul.f32 v15, v12;
	v39 =	vsub.f32 $1.000000000e+00, v16;
	v9 =	vmul.f32 v10, v9;
	v37 =	vld.idx.msk [tilespmem:v54+s10+$0x0], $0xffff;
	v41 =	vpop (erf)  }
0xe1: {  	v58 =	vmul.f32 v49, v48;
	v42 =	vld.idx.msk [tilespmem:v57+s10+$0x0], $0xffff;
	v56 =	vsub.f32 $1.000000000e+00, v53;
	v25 =	vnsel vm0, $0x0, v25;
	v43 =	vpop (erf)  }
0xe2: {  	v12 =	vsub.f32 $1.000000000e+00, v12;
	v4 =	vmul.f32 v5, v4;
	v44 =	vld.idx.msk [tilespmem:v59+s10+$0x0], $0xffff;
	v20 =	vadd.f32 v25, v20;
	v45 =	vpop (erf)  }
0xe3: {  	v47 =	vsub.f32 $1.000000000e+00, v9;
	v62 =	vsub.f32 $1.000000000e+00, v58;
	v14 =	vnsel vm12, $0x0, v56;
	v40 =	vld.idx.msk [tilespmem:v55+s10+$0x0], $0xffff;
	_ =	swait.ge [sflag:s25], $0x80  }
0xe4: {  	v46 =	vnsel vm7, $0x0, v12;
	vm0 =	vmor vm14, vm13;
	v14 =	vadd.f32 v14, v20;
	[sflag:s25] =	ssyncset.done $0x0  }
0xe5: {  	v50 =	vsub.f32 $1.000000000e+00, v4;
	v48 =	vnsel vm10, $0x0, v47;
	v7 =	vnsel vm0, $0x0, v62;
	[sflag:s25] =	ssyncadd.s32 $0xFFFFFF80  }
0xe6: {  	vm12 =	vgt.f32 v0, $0.0e+00;
	vm0 =	vmor vm4, vm15;
	v7 =	vadd.f32 v7, v14;
	v49 =	vld [tilespmem:$0x780]  }
0xe7: {  	vm13 =	vlt.f32 v13, $0.0e+00;
	vm14 =	vgt.f32 v13, $0.0e+00;
	v3 =	vnsel vm0, $0x0, v39;
	v51 =	vld [tilespmem:$0x180]  }
0xe8: {  	vm4 =	vlt.f32 v23, $0.0e+00;
	vm5 =	vgt.f32 v23, $0.0e+00;
	v3 =	vadd.f32 v3, v7;
	v54 =	vld [tilespmem:$0x190]  }
0xe9: {  	vm7 =	vlt.f32 v24, $0.0e+00;
	vm8 =	vgt.f32 v24, $0.0e+00;
	vm9 =	vlt.f32 v19, $0.0e+00;
	v57 =	vld [tilespmem:$0x1A0]  }
0xea: {  	vm10 =	vgt.f32 v19, $0.0e+00;
	vm0 =	vmor vm12, vm11;
	v1 =	vadd.f32 v46, v3;
	v62 =	vld [tilespmem:$0x1B0]  }
0xeb: {  	vm15 =	vmor vm14, vm13;
	vm6 =	vmor vm5, vm4;
	v52 =	vmul.f32 v60, v22;
	v22 =	vld [tilespmem:$0x790]  }
0xec: {  	vm11 =	vlt.f32 v17, $0.0e+00;
	vm12 =	vgt.f32 v17, $0.0e+00;
	v1 =	vadd.f32 v48, v1;
	v25 =	vld [tilespmem:$0x7A0]  }
0xed: {  	v0 =	vnsel vm0, $0x0, v50;
	v53 =	vmul.f32 v61, v27;
	v55 =	vsub.f32 $1.000000000e+00, v52;
	v26 =	vld [tilespmem:$0x1C0]  }
0xee: {  	vm14 =	vlt.f32 v11, $0.0e+00;
	vm4 =	vlt.f32 v8, $0.0e+00;
	v0 =	vadd.f32 v0, v1;
	v27 =	vld [tilespmem:$0x7B0]  }
0xef: {  	v58 =	vmul.f32 v63, v34;
	v56 =	vsub.f32 $1.000000000e+00, v53;
	v1 =	vnsel vm15, $0x0, v55;
	v32 =	vld [tilespmem:$0x1D0]  }
0xf0: {  	vm5 =	vgt.f32 v8, $0.0e+00;
	vm0 =	vmor vm8, vm7;
	v0 =	vadd.f32 v1, v0;
	v63 =	vld.idx.msk [tilespmem:v51+s10+$0x0], $0xffff  }
0xf1: {  	v23 =	vmul.f32 v35, v36;
	v61 =	vsub.f32 $1.000000000e+00, v58;
	v59 =	vnsel vm6, $0x0, v56;
	v33 =	vld [tilespmem:$0x1E0]  }
0xf2: {  	vm13 =	vmor vm12, vm11;
	v24 =	vmul.f32 v38, v37;
	v0 =	vadd.f32 v59, v0;
	v9 =	vld.idx.msk [tilespmem:v54+s10+$0x0], $0xffff  }
0xf3: {  	vm15 =	vgt.f32 v11, $0.0e+00;
	v3 =	vsub.f32 $1.000000000e+00, v23;
	v20 =	vnsel vm0, $0x0, v61;
	v36 =	vld [tilespmem:$0x1F0]  }
0xf4: {  	v15 =	vmul.f32 v41, v40;
	vm0 =	vmor vm10, vm9;
	v0 =	vadd.f32 v20, v0;
	v7 =	vld.idx.msk [tilespmem:v57+s10+$0x0], $0xffff  }
0xf5: {  	v13 =	vsub.f32 $1.000000000e+00, v24;
	v3 =	vnsel vm0, $0x0, v3;
	v41 =	vld [tilespmem:$0x7C0];
	(erf) = vrcp.f32 v63  }
0xf6: {  	v2 =	vmul.f32 v43, v42;
	v31 =	vsub.f32 $1.000000000e+00, v15;
	v0 =	vadd.f32 v3, v0;
	v12 =	vld.idx.msk [tilespmem:v62+s10+$0x0], $0xffff  }
0xf7: {  	v35 =	vmul.f32 v45, v44;
	v30 =	vnsel vm13, $0x0, v13;
	v45 =	vld [tilespmem:$0x7D0];
	(erf) = vrcp.f32 v9  }
0xf8: {  	vm7 =	vgt.f32 v6, $0.0e+00;
	vm0 =	vmor vm15, vm14;
	v47 =	vld [tilespmem:$0x7E0];
	v0 =	vadd.f32 v30, v0  }
0xf9: {  	v2 =	vsub.f32 $1.000000000e+00, v2;
	v11 =	vnsel vm0, $0x0, v31;
	v37 =	vld.idx.msk [tilespmem:v26+s10+$0x0], $0xffff;
	(erf) = vrcp.f32 v7  }
0xfa: {  	vm6 =	vlt.f32 v6, $0.0e+00;
	vm0 =	vmor vm5, vm4;
	v0 =	vadd.f32 v11, v0;
	v60 =	vld.idx.msk [tilespmem:v49+s10+$0x0], $0xffff  }
0xfb: {  	v38 =	vsub.f32 $1.000000000e+00, v35;
	v2 =	vnsel vm0, $0x0, v2;
	v43 =	vld.idx.msk [tilespmem:v32+s10+$0x0], $0xffff;
	(erf) = vrcp.f32 v12  }
0xfc: {  	vm8 =	vmor vm7, vm6;
	v0 =	vadd.f32 v2, v0;
	v5 =	vld.idx.msk [tilespmem:v22+s10+$0x0], $0xffff  }
0xfd: {  	v42 =	vnsel vm8, $0x0, v38;
	v3 =	vld.idx.msk [tilespmem:v33+s10+$0x0], $0xffff  }
0xfe: {  	v34 =	vld.idx.msk [tilespmem:v25+s10+$0x0], $0xffff;
	v0 =	vadd.f32 v42, v0;
	vm9 =	vlt.f32 v63, $0.0e+00;
	v39 =	vpop (erf);
	(erf) = vrcp.f32 v37  }
0xff: {  	v50 =	vld.idx.msk [tilespmem:v36+s10+$0x0], $0xffff;
	vm10 =	vgt.f32 v63, $0.0e+00;
	vm11 =	vlt.f32 v9, $0.0e+00;
	v4 =	vmul.f32 v39, v60  }
0x100: {  	v40 =	vld.idx.msk [tilespmem:v27+s10+$0x0], $0xffff;
	vm12 =	vgt.f32 v9, $0.0e+00;
	vm13 =	vlt.f32 v7, $0.0e+00;
	v46 =	vpop (erf);
	(erf) = vrcp.f32 v43  }
0x101: {  	v51 =	vld [tilespmem:$0x7F0];
	vm14 =	vgt.f32 v7, $0.0e+00;
	vm4 =	vlt.f32 v12, $0.0e+00;
	v44 =	vsub.f32 $1.000000000e+00, v4  }
0x102: {  	vm0 =	vmor vm10, vm9;
	v48 =	vmul.f32 v46, v5;
	v49 =	vpop (erf);
	(erf) = vrcp.f32 v3  }
0x103: {  	v8 =	vld.idx.msk [tilespmem:v41+s10+$0x0], $0xffff;
	vm5 =	vgt.f32 v12, $0.0e+00;
	v4 =	vmul.f32 v49, v34;
	v1 =	vnsel vm0, $0x0, v44  }
0x104: {  	v52 =	vpop (erf);
	(erf) = vrcp.f32 v50;
	v0 =	vadd.f32 v1, v0;
	v1 =	vsub.f32 $1.000000000e+00, v48  }
0x105: {  	v2 =	vld.idx.msk [tilespmem:v45+s10+$0x0], $0xffff;
	vm6 =	vlt.f32 v37, $0.0e+00;
	vm7 =	vgt.f32 v37, $0.0e+00;
	vm0 =	vmor vm12, vm11  }
0x106: {  	v7 =	vmul.f32 v52, v40;
	v4 =	vsub.f32 $1.000000000e+00, v4;
	v1 =	vnsel vm0, $0x0, v1  }
0x107: {  	v56 =	vld.idx.msk [tilespmem:v47+s10+$0x0], $0xffff;
	vm8 =	vlt.f32 v43, $0.0e+00;
	vm15 =	vmor vm14, vm13;
	v0 =	vadd.f32 v1, v0;
	v55 =	vpop (erf)  }
0x108: {  	v54 =	vsub.f32 $1.000000000e+00, v7;
	v53 =	vnsel vm15, $0x0, v4;
	v7 =	vmul.f32 v55, v8  }
0x109: {  	vm9 =	vgt.f32 v43, $0.0e+00;
	v58 =	vld.idx.msk [tilespmem:v51+s10+$0x0], $0xffff;
	vm0 =	vmor vm5, vm4;
	v57 =	vpop (erf);
	v0 =	vadd.f32 v53, v0  }
0x10a: {  	v4 =	vnsel vm0, $0x0, v54;
	v2 =	vmul.f32 v57, v2;
	v7 =	vsub.f32 $1.000000000e+00, v7  }
0x10b: {  	vm10 =	vmor vm9, vm8;
	vm0 =	vmor vm7, vm6;
	v59 =	vpop (erf);
	v0 =	vadd.f32 v4, v0  }
0x10c: {  	v1 =	vmul.f32 v59, v56;
	v2 =	vsub.f32 $1.000000000e+00, v2;
	v60 =	vnsel vm0, $0x0, v7  }
0x10d: {  	vm11 =	vlt.f32 v3, $0.0e+00;
	vm12 =	vgt.f32 v3, $0.0e+00;
	v61 =	vpop (erf);
	v0 =	vadd.f32 v60, v0  }
0x10e: {  	v3 =	vmul.f32 v61, v58;
	v1 =	vsub.f32 $1.000000000e+00, v1;
	v2 =	vnsel vm10, $0x0, v2  }
0x10f: {  	vm14 =	vlt.f32 v50, $0.0e+00;
	vm13 =	vmor vm12, vm11;
	v0 =	vadd.f32 v2, v0  }
0x110: {  	vm15 =	vgt.f32 v50, $0.0e+00;
	v62 =	vsub.f32 $1.000000000e+00, v3;
	v1 =	vnsel vm13, $0x0, v1  }
0x111: {  	vm0 =	vmor vm15, vm14;
	v0 =	vadd.f32 v1, v0  }
0x112: {  	v63 =	vnsel vm0, $0x0, v62  }
0x113: {  	v0 =	vadd.f32 v63, v0;
	_ =	sdelay $0x1  }
0x114: {  	(xrf2) =	vadd.scan.msk.f32 $0xffff, v0;
	_ =	sdelay $0x9  }
0x115: {  	v0, _, _ =	vpop (xrf2)  }
0x116: {  	v0 =	vbroadcast v0, $0xF  }
0x117: {  	p0 =	sne.s32 s8, $0x1  }
.Ltmp0:
0x118: {  	[tilespmem:$0xC00] =	vst v0;
	(pc) =	sbr.rel @p0 .LBB2_1-.Ltmp0, $4  }
0x119: {  	[hbm4b:s7+s3] =	stream.linear.scatter [tilespmem:s26], [sflag:$0x7], $0x80, $0x38;
	[tilespmem:$0xC80] =	vst v63  }
0x11a: {  	_ =	swait.ge [sflag:s28], $0x80  }
0x11b: {  	[sflag:s28] =	ssyncset.done $0x0  }
0x11c: {  	s8 =	sadd.s32 $0xFFFFFFFF, s8;
	[sflag:s28] =	ssyncadd.s32 $0xFFFFFF80  }
0x11d: {  	_ =	sfence.sel $0x180000  }
0x11e: {  	[bflag:$0x0] =	sbarrier.arrive $0xFFFF  }
0x11f: {  	p0 =	sne.s32 s4, $0x0;
	_ =	strace $0x90000047  }
0x120: {  	s0 =	sadd.s32 @!p0 $0x100000, s0;
	[bflag:$0x2] =	sbarrier.arrive $0xFFFF  }
0x121: {  	[sflag:s0] =	ssyncadd.tile.s32 @!p0 $0x1;
	_ =	shalt  }
.Lfunc_end2:
_tile_overlayer_lowered:
.L_overlay_start_2:
0x122: {  	(tag) =	ssettag $0x2  }
0x123: {  	s0 =	rddreg [dreg:$0x0];
	s2 =	stileid.u32  }
0x124: {  	s1 =	rddreg [dreg:$0x1];
	p0 =	sne.s32 s2, $0x0  }
0x125: {  	s3 =	rddreg [dreg:$0x2];
	[bflag:$0x3] =	sbarrier.arrive $0xFFFF;
	s2 =	simm.s32 @!p0 $0x1C07  }
0x126: {  	[timem:s3], [sflag:s2] =	dma.local @!p0 [hbm:s0], s1  }
0x127: {  	s0 =	simm.s32 @!p0 $0x7  }
0x128: {  	_ =	swait.ge @!p0 [sflag:s0], s1  }
0x129: {  	s1 =	ssub.s32 @!p0 $0x0, s1;
	[sflag:s0] =	ssyncset.done @!p0 $0x0  }
0x12a: {  	[sflag:s0] =	ssyncadd.s32 @!p0 s1  }
0x12b: {  	[bflag:$0x3] =	sbarrier.arrive $0xFFFF  }
0x12c: {  	_ =	shalt  }

</sc_bundles>
